<compile_context>
chip_gen: v7x
topology: tpu7x:2x2x1
jax: 0.10.2.dev20260603
libtpu: 0.0.44.dev20260713+nightly
codegen_flags: <defaults>
</compile_context>

<pallas_src>
import numpy as np
import jax
import jax.numpy as jnp
from jax import lax
from jax.experimental import pallas as pl
from jax.experimental.pallas import tpu as pltpu
from jax.experimental.pallas import tpu_sc as plsc

H = 16
NC = 2
NS = 16
NW = NC * NS
CH = 128

_F32 = jnp.float32



def _enc_body(x_ref, w_ref, b_ref, o_ref):
    n = x_ref.shape[0]
    o_ref[pl.ds(0, n), :] = (
        jnp.dot(x_ref[...], w_ref[...], preferred_element_type=_F32)
        + b_ref[...]
    )


def _msg_body(ea_ref, xj_ref, w1_ref, b1_ref, r_ref, t_ref, w2p_ref,
              b2m_ref, o_ref):
    ea = ea_ref[...]
    xj = xj_ref[...]
    h1 = jnp.maximum(
        jnp.dot(ea, w1_ref[0], preferred_element_type=_F32) + b1_ref[0],
        0.0)
    bf = jnp.bfloat16
    z = (jnp.dot(h1.astype(bf), r_ref[...], preferred_element_type=_F32)
         * jnp.dot(xj.astype(bf), t_ref[...], preferred_element_type=_F32))
    o_ref[...] = (
        jnp.dot(z.astype(bf), w2p_ref[0], preferred_element_type=_F32)
        + jnp.dot(xj, b2m_ref[0], preferred_element_type=_F32)
    )


def _upd_body(s_ref, cnt_ref, h_ref, root_ref, bias_ref, o_ref):
    s = s_ref[0] + s_ref[1]
    cnt = cnt_ref[0] + cnt_ref[1]
    inv = 1.0 / jnp.maximum(cnt, 1.0)
    o_ref[...] = jnp.maximum(
        s * inv
        + jnp.dot(h_ref[...], root_ref[...], preferred_element_type=_F32)
        + bias_ref[...],
        0.0)


def _updout_body(s_ref, cnt_ref, h_ref, root_ref, bias_ref, ow_ref, ob_ref,
                 o_ref):
    n = o_ref.shape[0]
    s = s_ref[0, pl.ds(0, n)] + s_ref[1, pl.ds(0, n)]
    cnt = cnt_ref[0, pl.ds(0, n)] + cnt_ref[1, pl.ds(0, n)]
    inv = 1.0 / jnp.maximum(cnt, 1.0)
    h2 = jnp.maximum(
        s * inv
        + jnp.dot(h_ref[pl.ds(0, n), :], root_ref[...],
                  preferred_element_type=_F32)
        + bias_ref[...],
        0.0)
    o_ref[...] = (
        jnp.dot(h2, ow_ref[...], preferred_element_type=_F32) + ob_ref[...]
    )


def _msg_call(layer, ea_p, xj_p, w1, b1, r, t, w2p, b2m, brows=2000):
    rows = ea_p.shape[0]
    grid = rows // brows
    blk_e = pl.BlockSpec((brows, 128), lambda i: (i, 0))

    def blk_full(a):
        return pl.BlockSpec(a.shape, lambda i: (0,) * a.ndim)

    def blk_layer(a):
        return pl.BlockSpec((1,) + a.shape[1:],
                            lambda i: (layer,) + (0,) * (a.ndim - 1))

    return pl.pallas_call(
        _msg_body,
        grid=(grid,),
        in_specs=[blk_e, blk_e, blk_layer(w1), blk_layer(b1), blk_full(r),
                  blk_full(t), blk_layer(w2p), blk_layer(b2m)],
        out_specs=blk_e,
        out_shape=jax.ShapeDtypeStruct((rows, 128), _F32),
    )(ea_p, xj_p, w1, b1, r, t, w2p, b2m)



_SC_PARAMS = pltpu.CompilerParams(use_tc_tiling_on_sc=False)


def _sc_mesh():
    return plsc.VectorSubcoreMesh(
        core_axis_name="c", subcore_axis_name="s",
        num_cores=NC, num_subcores=NS)


def _n_valid(w, n_chunks, per_tile):
    nv = n_chunks - w * per_tile
    nv = jnp.maximum(nv, 0)
    return jnp.minimum(nv, per_tile)


def _make_gather_cnt(n_pad, e, e_pad):
    n_chunks = e // CH
    per_tile = (e_pad // CH) // NW
    rows = per_tile * CH
    rps = n_pad // NS

    def body(h_hbm, src_hbm, dst_hbm, zeros_hbm, ones_hbm,
             xj_hbm, cnt_hbm, idx_v, idx2_v, big_v, ones_v, gsem, csem,
             cnt_sh):
        c = lax.axis_index("c")
        s = lax.axis_index("s")
        w = s * NC + c
        nv = _n_valid(w, n_chunks, per_tile)
        pltpu.sync_copy(src_hbm.at[pl.ds(w * per_tile, per_tile)], idx_v)
        pltpu.sync_copy(dst_hbm.at[pl.ds(w * per_tile, per_tile)], idx2_v)
        pltpu.sync_copy(ones_hbm, ones_v)
        pltpu.sync_copy(zeros_hbm, cnt_sh.at[pl.ds(s * rps, rps)])
        plsc.subcore_barrier()

        def fire_g(j, carry):
            pltpu.async_copy(h_hbm.at[idx_v.at[j]],
                             big_v.at[pl.ds(j * CH, CH)], gsem)
            return carry

        lax.fori_loop(0, per_tile, fire_g, 0)

        def fire_c(j, carry):
            pltpu.async_copy(ones_v, cnt_sh.at[idx2_v.at[j]], csem,
                             add=True)
            return carry

        lax.fori_loop(0, nv, fire_c, 0)

        def drain_g(j, carry):
            pltpu.make_async_copy(h_hbm.at[idx_v.at[0]],
                                  big_v.at[pl.ds(0, CH)], gsem).wait()
            return carry

        lax.fori_loop(0, per_tile, drain_g, 0)
        pltpu.sync_copy(big_v, xj_hbm.at[pl.ds(w * rows, rows)])

        def drain_c(j, carry):
            pltpu.make_async_copy(ones_v, cnt_sh.at[idx2_v.at[0]],
                                  csem).wait()
            return carry

        lax.fori_loop(0, nv, drain_c, 0)
        plsc.subcore_barrier()
        pltpu.sync_copy(cnt_sh.at[pl.ds(s * rps, rps)],
                        cnt_hbm.at[c, pl.ds(s * rps, rps)])

    return pl.kernel(
        body,
        out_type=[
            jax.ShapeDtypeStruct((e_pad, H), _F32),
            jax.ShapeDtypeStruct((NC, n_pad, H), _F32),
        ],
        mesh=_sc_mesh(),
        scratch_types=[
            pltpu.VMEM((per_tile, CH), jnp.int32),
            pltpu.VMEM((per_tile, CH), jnp.int32),
            pltpu.VMEM((rows, H), _F32),
            pltpu.VMEM((CH, H), _F32),
            pltpu.SemaphoreType.DMA,
            pltpu.SemaphoreType.DMA,
            pltpu.VMEM_SHARED((n_pad, H), _F32),
        ],
        compiler_params=_SC_PARAMS,
    )


def _make_gather(n_pad, e, e_pad):
    per_tile = (e_pad // CH) // NW
    rows = per_tile * CH

    def body(h_hbm, src_hbm, xj_hbm, idx_v, big_v, gsem):
        c = lax.axis_index("c")
        s = lax.axis_index("s")
        w = s * NC + c
        pltpu.sync_copy(src_hbm.at[pl.ds(w * per_tile, per_tile)], idx_v)

        def fire_g(j, carry):
            pltpu.async_copy(h_hbm.at[idx_v.at[j]],
                             big_v.at[pl.ds(j * CH, CH)], gsem)
            return carry

        lax.fori_loop(0, per_tile, fire_g, 0)

        def drain_g(j, carry):
            pltpu.make_async_copy(h_hbm.at[idx_v.at[0]],
                                  big_v.at[pl.ds(0, CH)], gsem).wait()
            return carry

        lax.fori_loop(0, per_tile, drain_g, 0)
        pltpu.sync_copy(big_v, xj_hbm.at[pl.ds(w * rows, rows)])

    return pl.kernel(
        body,
        out_type=jax.ShapeDtypeStruct((e_pad, H), _F32),
        mesh=_sc_mesh(),
        scratch_types=[
            pltpu.VMEM((per_tile, CH), jnp.int32),
            pltpu.VMEM((rows, H), _F32),
            pltpu.SemaphoreType.DMA,
        ],
        compiler_params=_SC_PARAMS,
    )


def _make_scatter(n_pad, e, e_pad):
    n_chunks = e // CH
    per_tile = (e_pad // CH) // NW
    rows = per_tile * CH
    rps = n_pad // NS

    def body(msg_hbm, dst_hbm, zeros_hbm, s_hbm, idx_v, big_v, ssem, s_sh):
        c = lax.axis_index("c")
        s = lax.axis_index("s")
        w = s * NC + c
        nv = _n_valid(w, n_chunks, per_tile)
        off = jnp.minimum(w * rows, e - rows)
        pltpu.sync_copy(dst_hbm.at[pl.ds(w * per_tile, per_tile)], idx_v)
        pltpu.sync_copy(msg_hbm.at[pl.ds(off, rows)], big_v)
        pltpu.sync_copy(zeros_hbm, s_sh.at[pl.ds(s * rps, rps)])
        plsc.subcore_barrier()

        def fire_s(j, carry):
            loc = w * rows + j * CH - off
            pltpu.async_copy(big_v.at[pl.ds(loc, CH)],
                             s_sh.at[idx_v.at[j]], ssem, add=True)
            return carry

        lax.fori_loop(0, nv, fire_s, 0)

        def drain_s(j, carry):
            pltpu.make_async_copy(big_v.at[pl.ds(0, CH)],
                                  s_sh.at[idx_v.at[0]], ssem).wait()
            return carry

        lax.fori_loop(0, nv, drain_s, 0)
        plsc.subcore_barrier()
        pltpu.sync_copy(s_sh.at[pl.ds(s * rps, rps)],
                        s_hbm.at[c, pl.ds(s * rps, rps)])

    return pl.kernel(
        body,
        out_type=jax.ShapeDtypeStruct((NC, n_pad, H), _F32),
        mesh=_sc_mesh(),
        scratch_types=[
            pltpu.VMEM((per_tile, CH), jnp.int32),
            pltpu.VMEM((rows, H), _F32),
            pltpu.SemaphoreType.DMA,
            pltpu.VMEM_SHARED((n_pad, H), _F32),
        ],
        compiler_params=_SC_PARAMS,
    )



def kernel(x, edge_index, edge_attr, batch, enc_W, enc_b,
           W1_0, b1_0, W2_0, b2_0, root_0, bias_0,
           W1_1, b1_1, W2_1, b2_1, root_1, bias_1,
           out_W, out_b):
    n, d_in = x.shape
    e = edge_attr.shape[0]
    d_out = out_W.shape[1]
    n_pad = ((n + NS * 8 - 1) // (NS * 8)) * NS * 8
    n_chunks = e // CH
    chunks_pad = ((n_chunks + NW - 1) // NW) * NW
    e_pad = chunks_pad * CH

    src2d = jnp.pad(edge_index[0].reshape(n_chunks, CH),
                    ((0, chunks_pad - n_chunks), (0, 0)))
    dst2d = jnp.pad(edge_index[1].reshape(n_chunks, CH),
                    ((0, chunks_pad - n_chunks), (0, 0)))
    zeros = jnp.zeros((n_pad // NS, H), _F32)
    ones = jnp.ones((CH, H), _F32)

    ea_p = edge_attr.reshape(e // 8, 8 * H)
    eye8np = np.eye(8, dtype=np.float32)
    r_mat = np.repeat(np.eye(H, dtype=np.float32), H, axis=1)
    t_mat = np.tile(np.eye(H, dtype=np.float32), (1, H))
    r_bd = jnp.asarray(np.kron(eye8np, r_mat), dtype=jnp.bfloat16)
    t_bd = jnp.asarray(np.kron(eye8np, t_mat), dtype=jnp.bfloat16)
    eye8 = jnp.asarray(eye8np)

    def kron8(w):
        a, b = w.shape[1], w.shape[2]
        k = jnp.einsum('ij,lab->liajb', eye8, w)
        return k.reshape(2, 8 * a, 8 * b)

    w1bd = kron8(jnp.stack([W1_0, W1_1]))
    w2pbd = kron8(jnp.stack([W2_0.reshape(H * H, H),
                             W2_1.reshape(H * H, H)])).astype(jnp.bfloat16)
    b2bd = kron8(jnp.stack([b2_0.reshape(H, H), b2_1.reshape(H, H)]))
    b1t = jnp.tile(jnp.stack([b1_0, b1_1]), (1, 8)).reshape(2, 1, 8 * H)

    h0 = pl.pallas_call(
        _enc_body,
        out_shape=jax.ShapeDtypeStruct((n_pad, H), _F32),
    )(x, enc_W, enc_b.reshape(1, H))

    xj1, cnt = _make_gather_cnt(n_pad, e, e_pad)(
        h0, src2d, dst2d, zeros, ones)
    msg1 = _msg_call(0, ea_p, xj1.reshape(e_pad // 8, 8 * H),
                     w1bd, b1t, r_bd, t_bd, w2pbd, b2bd)
    s1 = _make_scatter(n_pad, e, e_pad)(msg1.reshape(e, H), dst2d, zeros)
    h1 = pl.pallas_call(
        _upd_body,
        out_shape=jax.ShapeDtypeStruct((n_pad, H), _F32),
    )(s1, cnt, h0, root_0, bias_0.reshape(1, H))

    xj2 = _make_gather(n_pad, e, e_pad)(h1, src2d)
    msg2 = _msg_call(1, ea_p, xj2.reshape(e_pad // 8, 8 * H),
                     w1bd, b1t, r_bd, t_bd, w2pbd, b2bd)
    s2 = _make_scatter(n_pad, e, e_pad)(msg2.reshape(e, H), dst2d, zeros)
    out = pl.pallas_call(
        _updout_body,
        out_shape=jax.ShapeDtypeStruct((n, d_out), _F32),
    )(s2, cnt, h1, root_1, bias_1.reshape(1, H), out_W,
      out_b.reshape(1, d_out))
    return out

# --- scband reference (transcript-rebuilt; emitter-appended) ---
"""Pipeline reference for scband-gnn-3126736192020 (READ-ONLY COPY).

The authoritative reference and input builder live on the scoring server;
editing this copy changes nothing except your own understanding.
"""

import jax, jax.numpy as jnp
import numpy as np

N = 10000
E = 160000
D_IN = 128
D_EDGE = 16
H = 16
D_OUT = 128
NUM_LAYERS = 2


def setup_inputs(seed: int = 0) -> dict:
    key = jax.random.key(seed)
    ks = jax.random.split(key, 32)
    inp = {}
    inp["x"] = jax.random.normal(ks[0], (N, D_IN), dtype=jnp.float32)
    inp["edge_index"] = jax.random.randint(ks[1], (2, E), 0, N, dtype=jnp.int32)
    inp["edge_attr"] = jax.random.normal(ks[2], (E, D_EDGE), dtype=jnp.float32)
    inp["batch"] = jnp.sort(jax.random.randint(ks[3], (N,), 0, 64, dtype=jnp.int32))
    # node encoder
    inp["enc_W"] = jax.random.normal(ks[4], (D_IN, H), dtype=jnp.float32) * (1.0 / np.sqrt(D_IN))
    inp["enc_b"] = jnp.zeros((H,), dtype=jnp.float32)
    # per-layer NNConv params: edge_nn = Linear(D_EDGE,H) -> ReLU -> Linear(H, H*H); root weight; bias
    for l in range(NUM_LAYERS):
        k0, k1, k2 = jax.random.split(ks[5 + l], 3)
        inp[f"W1_{l}"] = jax.random.normal(k0, (D_EDGE, H), dtype=jnp.float32) * (1.0 / np.sqrt(D_EDGE))
        inp[f"b1_{l}"] = jnp.zeros((H,), dtype=jnp.float32)
        inp[f"W2_{l}"] = jax.random.normal(k1, (H, H * H), dtype=jnp.float32) * (0.5 / np.sqrt(H))
        inp[f"b2_{l}"] = jnp.zeros((H * H,), dtype=jnp.float32)
        inp[f"root_{l}"] = jax.random.normal(k2, (H, H), dtype=jnp.float32) * (1.0 / np.sqrt(H))
        inp[f"bias_{l}"] = jnp.zeros((H,), dtype=jnp.float32)
    # output layer
    inp["out_W"] = jax.random.normal(ks[10], (H, D_OUT), dtype=jnp.float32) * (1.0 / np.sqrt(H))
    inp["out_b"] = jnp.zeros((D_OUT,), dtype=jnp.float32)
    return inp


def _nnconv(x, src, dst, edge_attr, W1, b1, W2, b2, root, bias):
    # edge_nn(edge_attr) -> per-edge [H, H] weight matrix
    h = jax.nn.relu(edge_attr @ W1 + b1)
    w = (h @ W2 + b2).reshape(-1, H, H)
    # message: x_j @ W_e per edge (gather on src)
    xj = jnp.take(x, src, axis=0)
    msg = jnp.einsum("ei,eio->eo", xj, w)
    # mean aggregation at dst (scatter-add + count)
    s = jax.ops.segment_sum(msg, dst, num_segments=N)
    cnt = jax.ops.segment_sum(jnp.ones((msg.shape[0],), msg.dtype), dst, num_segments=N)
    agg = s / jnp.maximum(cnt, 1.0)[:, None]
    # root weight + bias (PyG NNConv defaults: root_weight=True, bias=True)
    return agg + x @ root + bias


def reference(x, edge_index, edge_attr, batch, enc_W, enc_b,
              W1_0, b1_0, W2_0, b2_0, root_0, bias_0,
              W1_1, b1_1, W2_1, b2_1, root_1, bias_1,
              out_W, out_b):
    src = edge_index[0]
    dst = edge_index[1]
    h = x @ enc_W + enc_b
    h = jax.nn.relu(_nnconv(h, src, dst, edge_attr, W1_0, b1_0, W2_0, b2_0, root_0, bias_0))
    h = jax.nn.relu(_nnconv(h, src, dst, edge_attr, W1_1, b1_1, W2_1, b2_1, root_1, bias_1))
    return h @ out_W + out_b

if __name__ == "__main__":
    import jax
    _d = setup_inputs()
    print(jax.jit(kernel)(*tuple(_d.values())))

</pallas_src>

<mosaic_0001>
#map = affine_map<(d0, d1) -> (0, 0)>
module attributes {stable_mosaic.version = 14 : i64} {
  func.func @body(%arg0: i32, %arg1: i32, %arg2: memref<10112x16xf32, #tpu.memory_space<hbm>>, %arg3: memref<1280x128xi32, #tpu.memory_space<hbm>>, %arg4: memref<163840x16xf32, #tpu.memory_space<hbm>>, %arg5: memref<40x128xi32, #tpu.memory_space<vmem>>, %arg6: memref<5120x16xf32, #tpu.memory_space<vmem>>, %arg7: memref<!tpu.dma_semaphore, #tpu.memory_space<semaphore_mem>>) attributes {dimension_semantics = [#tpu.dimension_semantics<core_parallel>, #tpu.dimension_semantics<subcore_parallel>], iteration_bounds = array<i64: 2, 16>, scalar_prefetch = 0 : i64, scratch_operands = 3 : i64, tpu.core_type = #tpu.core_type<sc_vector_subcore>, window_params = [{transform_indices = #map}, {transform_indices = #map}, {transform_indices = #map}]} {
    %mul3A = arith.constant 2 : i32
    %mul3A_0 = arith.muli %arg1, %mul3A : i32
    %add3A = arith.addi %mul3A_0, %arg0 : i32
    %mul3A_1 = arith.constant 40 : i32
    %mul3A_2 = arith.muli %add3A, %mul3A_1 : i32
    "tpu.region"() ({
      %run_scoped3A = tpu.sem_alloc : memref<!tpu.dma_semaphore, #tpu.memory_space<semaphore_mem>>
      %dma_start3A = arith.constant 0 : i32
      %dma_start3A_16 = tpu.memref_slice %arg3[%mul3A_2, %dma_start3A] : memref<1280x128xi32, #tpu.memory_space<hbm>> -> memref<40x128xi32, #tpu.memory_space<hbm>>
      %dma_start3A_17 = arith.constant 0 : i32
      %dma_start3A_18 = tpu.memref_slice %arg3[%mul3A_2, %dma_start3A_17] : memref<1280x128xi32, #tpu.memory_space<hbm>> -> memref<40x128xi32, #tpu.memory_space<hbm>>
      tpu.enqueue_dma source(%dma_start3A_18 : memref<40x128xi32, #tpu.memory_space<hbm>>) target(%arg5 : memref<40x128xi32, #tpu.memory_space<vmem>>) target_semaphore(%run_scoped3A : memref<!tpu.dma_semaphore, #tpu.memory_space<semaphore_mem>>)
      %dma_wait3A = arith.constant 0 : i32
      %dma_wait3A_19 = tpu.memref_slice %arg3[%mul3A_2, %dma_wait3A] : memref<1280x128xi32, #tpu.memory_space<hbm>> -> memref<40x128xi32, #tpu.memory_space<hbm>>
      %dma_wait3A_20 = arith.constant 0 : i32
      %dma_wait3A_21 = tpu.memref_slice %arg3[%mul3A_2, %dma_wait3A_20] : memref<1280x128xi32, #tpu.memory_space<hbm>> -> memref<40x128xi32, #tpu.memory_space<hbm>>
      tpu.wait_dma2 semaphore(%run_scoped3A : memref<!tpu.dma_semaphore, #tpu.memory_space<semaphore_mem>>) src(%dma_wait3A_21 : memref<40x128xi32, #tpu.memory_space<hbm>>) dst(%arg5 : memref<40x128xi32, #tpu.memory_space<vmem>>)
      tpu.yield
    }) : () -> ()
    %scan3A = arith.constant 0 : i32
    %scan3A_3 = arith.constant 0 : i32
    %scan3A_4 = arith.constant 40 : i32
    %scan3A_5 = arith.addi %scan3A_3, %scan3A_4 : i32
    %scan3A_6 = arith.constant 1 : i32
    scf.for %scan3A_16 = %scan3A_3 to %scan3A_5 step %scan3A_6  : i32 {
      %mul3A_17 = arith.constant 128 : i32
      %mul3A_18 = arith.muli %scan3A_16, %mul3A_17 : i32
      %dma_start3A = arith.constant 0 : i32
      %dma_start3A_19 = tpu.memref_slice %arg6[%mul3A_18, %dma_start3A] : memref<5120x16xf32, #tpu.memory_space<vmem>> -> memref<128x16xf32, #tpu.memory_space<vmem>>
      %dma_start3A_20 = arith.constant 0 : i32
      %dma_start3A_21 = tpu.memref_slice %arg5[%scan3A_16, %dma_start3A_20] : memref<40x128xi32, #tpu.memory_space<vmem>> -> memref<1x128xi32, #tpu.memory_space<vmem>>
      %dma_start3A_22 = tpu.memref_squeeze %dma_start3A_21 : memref<1x128xi32, #tpu.memory_space<vmem>> -> memref<128xi32, #tpu.memory_space<vmem>>
      %dma_start3A_23 = arith.constant 0 : i32
      %dma_start3A_24 = arith.constant 0 : i32
      %dma_start3A_25 = tpu.memref_slice %arg2[%dma_start3A_23, %dma_start3A_24] : memref<10112x16xf32, #tpu.memory_space<hbm>> -> memref<10112x16xf32, #tpu.memory_space<hbm>>
      tpu.enqueue_indirect_dma source(%dma_start3A_25 : memref<10112x16xf32, #tpu.memory_space<hbm>>) target(%dma_start3A_19 : memref<128x16xf32, #tpu.memory_space<vmem>>) offsets(%dma_start3A_22 : memref<128xi32, #tpu.memory_space<vmem>>) semaphore(%arg7 : memref<!tpu.dma_semaphore, #tpu.memory_space<semaphore_mem>>)
    }
    %scan3A_7 = arith.constant 40 : i32
    %scan3A_8 = arith.constant 0 : i32
    %scan3A_9 = arith.constant 0 : i32
    %scan3A_10 = arith.constant 40 : i32
    %scan3A_11 = arith.addi %scan3A_9, %scan3A_10 : i32
    %scan3A_12 = arith.constant 1 : i32
    scf.for %scan3A_16 = %scan3A_9 to %scan3A_11 step %scan3A_12  : i32 {
      %dma_wait3A = arith.constant 0 : i32
      %dma_wait3A_17 = arith.constant 0 : i32
      %dma_wait3A_18 = arith.constant 0 : i32
      %dma_wait3A_19 = tpu.memref_slice %arg6[%dma_wait3A_17, %dma_wait3A_18] : memref<5120x16xf32, #tpu.memory_space<vmem>> -> memref<128x16xf32, #tpu.memory_space<vmem>>
      %dma_wait3A_20 = arith.constant 0 : i32
      %dma_wait3A_21 = tpu.memref_slice %arg5[%dma_wait3A, %dma_wait3A_20] : memref<40x128xi32, #tpu.memory_space<vmem>> -> memref<1x128xi32, #tpu.memory_space<vmem>>
      %dma_wait3A_22 = tpu.memref_squeeze %dma_wait3A_21 : memref<1x128xi32, #tpu.memory_space<vmem>> -> memref<128xi32, #tpu.memory_space<vmem>>
      %dma_wait3A_23 = arith.constant 0 : i32
      %dma_wait3A_24 = arith.constant 0 : i32
      %dma_wait3A_25 = tpu.memref_slice %arg2[%dma_wait3A_23, %dma_wait3A_24] : memref<10112x16xf32, #tpu.memory_space<hbm>> -> memref<10112x16xf32, #tpu.memory_space<hbm>>
      tpu.wait_indirect_dma semaphore(%arg7 : memref<!tpu.dma_semaphore, #tpu.memory_space<semaphore_mem>>) src(%dma_wait3A_25 : memref<10112x16xf32, #tpu.memory_space<hbm>>) dst(%dma_wait3A_19 : memref<128x16xf32, #tpu.memory_space<vmem>>)
    }
    %scan3A_13 = arith.constant 40 : i32
    %mul3A_14 = arith.constant 5120 : i32
    %mul3A_15 = arith.muli %add3A, %mul3A_14 : i32
    "tpu.region"() ({
      %run_scoped3A = tpu.sem_alloc : memref<!tpu.dma_semaphore, #tpu.memory_space<semaphore_mem>>
      %dma_start3A = arith.constant 0 : i32
      %dma_start3A_16 = tpu.memref_slice %arg4[%mul3A_15, %dma_start3A] : memref<163840x16xf32, #tpu.memory_space<hbm>> -> memref<5120x16xf32, #tpu.memory_space<hbm>>
      %dma_start3A_17 = arith.constant 0 : i32
      %dma_start3A_18 = tpu.memref_slice %arg4[%mul3A_15, %dma_start3A_17] : memref<163840x16xf32, #tpu.memory_space<hbm>> -> memref<5120x16xf32, #tpu.memory_space<hbm>>
      tpu.enqueue_dma source(%arg6 : memref<5120x16xf32, #tpu.memory_space<vmem>>) target(%dma_start3A_18 : memref<5120x16xf32, #tpu.memory_space<hbm>>) target_semaphore(%run_scoped3A : memref<!tpu.dma_semaphore, #tpu.memory_space<semaphore_mem>>)
      %dma_wait3A = arith.constant 0 : i32
      %dma_wait3A_19 = tpu.memref_slice %arg4[%mul3A_15, %dma_wait3A] : memref<163840x16xf32, #tpu.memory_space<hbm>> -> memref<5120x16xf32, #tpu.memory_space<hbm>>
      %dma_wait3A_20 = arith.constant 0 : i32
      %dma_wait3A_21 = tpu.memref_slice %arg4[%mul3A_15, %dma_wait3A_20] : memref<163840x16xf32, #tpu.memory_space<hbm>> -> memref<5120x16xf32, #tpu.memory_space<hbm>>
      tpu.wait_dma2 semaphore(%run_scoped3A : memref<!tpu.dma_semaphore, #tpu.memory_space<semaphore_mem>>) src(%arg6 : memref<5120x16xf32, #tpu.memory_space<vmem>>) dst(%dma_wait3A_21 : memref<5120x16xf32, #tpu.memory_space<hbm>>)
      tpu.yield
    }) : () -> ()
    return
  }
}

#map = affine_map<(d0, d1) -> (0, 0)>
#map1 = affine_map<(d0, d1) -> (0, 0, 0)>
module attributes {stable_mosaic.version = 14 : i64} {
  func.func @body(%arg0: i32, %arg1: i32, %arg2: memref<10112x16xf32, #tpu.memory_space<hbm>>, %arg3: memref<1280x128xi32, #tpu.memory_space<hbm>>, %arg4: memref<1280x128xi32, #tpu.memory_space<hbm>>, %arg5: memref<632x16xf32, #tpu.memory_space<hbm>>, %arg6: memref<128x16xf32, #tpu.memory_space<hbm>>, %arg7: memref<163840x16xf32, #tpu.memory_space<hbm>>, %arg8: memref<2x10112x16xf32, #tpu.memory_space<hbm>>, %arg9: memref<40x128xi32, #tpu.memory_space<vmem>>, %arg10: memref<40x128xi32, #tpu.memory_space<vmem>>, %arg11: memref<5120x16xf32, #tpu.memory_space<vmem>>, %arg12: memref<128x16xf32, #tpu.memory_space<vmem>>, %arg13: memref<!tpu.dma_semaphore, #tpu.memory_space<semaphore_mem>>, %arg14: memref<!tpu.dma_semaphore, #tpu.memory_space<semaphore_mem>>, %arg15: memref<10112x16xf32, #tpu.memory_space<vmem_shared>>) attributes {dimension_semantics = [#tpu.dimension_semantics<core_parallel>, #tpu.dimension_semantics<subcore_parallel>], iteration_bounds = array<i64: 2, 16>, scalar_prefetch = 0 : i64, scratch_operands = 7 : i64, tpu.core_type = #tpu.core_type<sc_vector_subcore>, window_params = [{transform_indices = #map}, {transform_indices = #map}, {transform_indices = #map}, {transform_indices = #map}, {transform_indices = #map}, {transform_indices = #map}, {transform_indices = #map1}]} {
    %mul3A = arith.constant 2 : i32
    %mul3A_0 = arith.muli %arg1, %mul3A : i32
    %add3A = arith.addi %mul3A_0, %arg0 : i32
    %mul3A_1 = arith.constant 40 : i32
    %mul3A_2 = arith.muli %add3A, %mul3A_1 : i32
    %sub3A = arith.constant 1250 : i32
    %sub3A_3 = arith.subi %sub3A, %mul3A_2 : i32
    %max3A = arith.constant 0 : i32
    %max3A_4 = arith.maxsi %sub3A_3, %max3A : i32
    %min3A = arith.constant 40 : i32
    %min3A_5 = arith.minsi %max3A_4, %min3A : i32
    %mul3A_6 = arith.constant 40 : i32
    %mul3A_7 = arith.muli %add3A, %mul3A_6 : i32
    "tpu.region"() ({
      %run_scoped3A = tpu.sem_alloc : memref<!tpu.dma_semaphore, #tpu.memory_space<semaphore_mem>>
      %dma_start3A = arith.constant 0 : i32
      %dma_start3A_49 = tpu.memref_slice %arg3[%mul3A_7, %dma_start3A] : memref<1280x128xi32, #tpu.memory_space<hbm>> -> memref<40x128xi32, #tpu.memory_space<hbm>>
      %dma_start3A_50 = arith.constant 0 : i32
      %dma_start3A_51 = tpu.memref_slice %arg3[%mul3A_7, %dma_start3A_50] : memref<1280x128xi32, #tpu.memory_space<hbm>> -> memref<40x128xi32, #tpu.memory_space<hbm>>
      tpu.enqueue_dma source(%dma_start3A_51 : memref<40x128xi32, #tpu.memory_space<hbm>>) target(%arg9 : memref<40x128xi32, #tpu.memory_space<vmem>>) target_semaphore(%run_scoped3A : memref<!tpu.dma_semaphore, #tpu.memory_space<semaphore_mem>>)
      %dma_wait3A = arith.constant 0 : i32
      %dma_wait3A_52 = tpu.memref_slice %arg3[%mul3A_7, %dma_wait3A] : memref<1280x128xi32, #tpu.memory_space<hbm>> -> memref<40x128xi32, #tpu.memory_space<hbm>>
      %dma_wait3A_53 = arith.constant 0 : i32
      %dma_wait3A_54 = tpu.memref_slice %arg3[%mul3A_7, %dma_wait3A_53] : memref<1280x128xi32, #tpu.memory_space<hbm>> -> memref<40x128xi32, #tpu.memory_space<hbm>>
      tpu.wait_dma2 semaphore(%run_scoped3A : memref<!tpu.dma_semaphore, #tpu.memory_space<semaphore_mem>>) src(%dma_wait3A_54 : memref<40x128xi32, #tpu.memory_space<hbm>>) dst(%arg9 : memref<40x128xi32, #tpu.memory_space<vmem>>)
      tpu.yield
    }) : () -> ()
    %mul3A_8 = arith.constant 40 : i32
    %mul3A_9 = arith.muli %add3A, %mul3A_8 : i32
    "tpu.region"() ({
      %run_scoped3A = tpu.sem_alloc : memref<!tpu.dma_semaphore, #tpu.memory_space<semaphore_mem>>
      %dma_start3A = arith.constant 0 : i32
      %dma_start3A_49 = tpu.memref_slice %arg4[%mul3A_9, %dma_start3A] : memref<1280x128xi32, #tpu.memory_space<hbm>> -> memref<40x128xi32, #tpu.memory_space<hbm>>
      %dma_start3A_50 = arith.constant 0 : i32
      %dma_start3A_51 = tpu.memref_slice %arg4[%mul3A_9, %dma_start3A_50] : memref<1280x128xi32, #tpu.memory_space<hbm>> -> memref<40x128xi32, #tpu.memory_space<hbm>>
      tpu.enqueue_dma source(%dma_start3A_51 : memref<40x128xi32, #tpu.memory_space<hbm>>) target(%arg10 : memref<40x128xi32, #tpu.memory_space<vmem>>) target_semaphore(%run_scoped3A : memref<!tpu.dma_semaphore, #tpu.memory_space<semaphore_mem>>)
      %dma_wait3A = arith.constant 0 : i32
      %dma_wait3A_52 = tpu.memref_slice %arg4[%mul3A_9, %dma_wait3A] : memref<1280x128xi32, #tpu.memory_space<hbm>> -> memref<40x128xi32, #tpu.memory_space<hbm>>
      %dma_wait3A_53 = arith.constant 0 : i32
      %dma_wait3A_54 = tpu.memref_slice %arg4[%mul3A_9, %dma_wait3A_53] : memref<1280x128xi32, #tpu.memory_space<hbm>> -> memref<40x128xi32, #tpu.memory_space<hbm>>
      tpu.wait_dma2 semaphore(%run_scoped3A : memref<!tpu.dma_semaphore, #tpu.memory_space<semaphore_mem>>) src(%dma_wait3A_54 : memref<40x128xi32, #tpu.memory_space<hbm>>) dst(%arg10 : memref<40x128xi32, #tpu.memory_space<vmem>>)
      tpu.yield
    }) : () -> ()
    "tpu.region"() ({
      %run_scoped3A = tpu.sem_alloc : memref<!tpu.dma_semaphore, #tpu.memory_space<semaphore_mem>>
      tpu.enqueue_dma source(%arg6 : memref<128x16xf32, #tpu.memory_space<hbm>>) target(%arg12 : memref<128x16xf32, #tpu.memory_space<vmem>>) target_semaphore(%run_scoped3A : memref<!tpu.dma_semaphore, #tpu.memory_space<semaphore_mem>>)
      tpu.wait_dma2 semaphore(%run_scoped3A : memref<!tpu.dma_semaphore, #tpu.memory_space<semaphore_mem>>) src(%arg6 : memref<128x16xf32, #tpu.memory_space<hbm>>) dst(%arg12 : memref<128x16xf32, #tpu.memory_space<vmem>>)
      tpu.yield
    }) : () -> ()
    %mul3A_10 = arith.constant 632 : i32
    %mul3A_11 = arith.muli %arg1, %mul3A_10 : i32
    "tpu.region"() ({
      %run_scoped3A = tpu.sem_alloc : memref<!tpu.dma_semaphore, #tpu.memory_space<semaphore_mem>>
      %dma_start3A = arith.constant 0 : i32
      %dma_start3A_49 = tpu.memref_slice %arg15[%mul3A_11, %dma_start3A] : memref<10112x16xf32, #tpu.memory_space<vmem_shared>> -> memref<632x16xf32, #tpu.memory_space<vmem_shared>>
      tpu.enqueue_dma source(%arg5 : memref<632x16xf32, #tpu.memory_space<hbm>>) target(%dma_start3A_49 : memref<632x16xf32, #tpu.memory_space<vmem_shared>>) target_semaphore(%run_scoped3A : memref<!tpu.dma_semaphore, #tpu.memory_space<semaphore_mem>>)
      %dma_wait3A = arith.constant 0 : i32
      %dma_wait3A_50 = tpu.memref_slice %arg15[%mul3A_11, %dma_wait3A] : memref<10112x16xf32, #tpu.memory_space<vmem_shared>> -> memref<632x16xf32, #tpu.memory_space<vmem_shared>>
      tpu.wait_dma2 semaphore(%run_scoped3A : memref<!tpu.dma_semaphore, #tpu.memory_space<semaphore_mem>>) src(%arg5 : memref<632x16xf32, #tpu.memory_space<hbm>>) dst(%dma_wait3A_50 : memref<632x16xf32, #tpu.memory_space<vmem_shared>>)
      tpu.yield
    }) : () -> ()
    %barrier3A = arith.constant 0 : index
    tpu.barrier barrier_id(%barrier3A)
    %scan3A = arith.constant 0 : i32
    %scan3A_12 = arith.constant 0 : i32
    %scan3A_13 = arith.constant 40 : i32
    %scan3A_14 = arith.addi %scan3A_12, %scan3A_13 : i32
    %scan3A_15 = arith.constant 1 : i32
    scf.for %scan3A_49 = %scan3A_12 to %scan3A_14 step %scan3A_15  : i32 {
      %mul3A_50 = arith.constant 128 : i32
      %mul3A_51 = arith.muli %scan3A_49, %mul3A_50 : i32
      %dma_start3A = arith.constant 0 : i32
      %dma_start3A_52 = tpu.memref_slice %arg11[%mul3A_51, %dma_start3A] : memref<5120x16xf32, #tpu.memory_space<vmem>> -> memref<128x16xf32, #tpu.memory_space<vmem>>
      %dma_start3A_53 = arith.constant 0 : i32
      %dma_start3A_54 = tpu.memref_slice %arg9[%scan3A_49, %dma_start3A_53] : memref<40x128xi32, #tpu.memory_space<vmem>> -> memref<1x128xi32, #tpu.memory_space<vmem>>
      %dma_start3A_55 = tpu.memref_squeeze %dma_start3A_54 : memref<1x128xi32, #tpu.memory_space<vmem>> -> memref<128xi32, #tpu.memory_space<vmem>>
      %dma_start3A_56 = arith.constant 0 : i32
      %dma_start3A_57 = arith.constant 0 : i32
      %dma_start3A_58 = tpu.memref_slice %arg2[%dma_start3A_56, %dma_start3A_57] : memref<10112x16xf32, #tpu.memory_space<hbm>> -> memref<10112x16xf32, #tpu.memory_space<hbm>>
      tpu.enqueue_indirect_dma source(%dma_start3A_58 : memref<10112x16xf32, #tpu.memory_space<hbm>>) target(%dma_start3A_52 : memref<128x16xf32, #tpu.memory_space<vmem>>) offsets(%dma_start3A_55 : memref<128xi32, #tpu.memory_space<vmem>>) semaphore(%arg13 : memref<!tpu.dma_semaphore, #tpu.memory_space<semaphore_mem>>)
    }
    %scan3A_16 = arith.constant 40 : i32
    %while3A = arith.constant 0 : i32
    %while3A_17 = arith.constant 0 : i32
    %while3A_18 = arith.subi %min3A_5, %while3A_17 : i32
    %while3A_19 = arith.addi %while3A_17, %while3A_18 : i32
    %while3A_20 = arith.constant 1 : i32
    %while3A_21 = arith.divsi %while3A_18, %while3A_20 : i32
    %while3A_22 = arith.muli %while3A_21, %while3A_20 : i32
    %while3A_23 = arith.addi %while3A_17, %while3A_22 : i32
    %while3A_24 = arith.constant 1 : i32
    scf.for %while3A_49 = %while3A_17 to %while3A_23 step %while3A_24  : i32 {
      %dma_start3A = arith.constant 0 : i32
      %dma_start3A_50 = tpu.memref_slice %arg10[%while3A_49, %dma_start3A] : memref<40x128xi32, #tpu.memory_space<vmem>> -> memref<1x128xi32, #tpu.memory_space<vmem>>
      %dma_start3A_51 = tpu.memref_squeeze %dma_start3A_50 : memref<1x128xi32, #tpu.memory_space<vmem>> -> memref<128xi32, #tpu.memory_space<vmem>>
      %dma_start3A_52 = arith.constant 0 : i32
      %dma_start3A_53 = arith.constant 0 : i32
      %dma_start3A_54 = tpu.memref_slice %arg15[%dma_start3A_52, %dma_start3A_53] : memref<10112x16xf32, #tpu.memory_space<vmem_shared>> -> memref<10112x16xf32, #tpu.memory_space<vmem_shared>>
      tpu.enqueue_indirect_dma source(%arg12 : memref<128x16xf32, #tpu.memory_space<vmem>>) target(%dma_start3A_54 : memref<10112x16xf32, #tpu.memory_space<vmem_shared>>) offsets(%dma_start3A_51 : memref<128xi32, #tpu.memory_space<vmem>>) semaphore(%arg14 : memref<!tpu.dma_semaphore, #tpu.memory_space<semaphore_mem>>) {add = true}
    }
    %while3A_25 = arith.constant 1 : i32
    scf.for %while3A_49 = %while3A_23 to %while3A_19 step %while3A_25  : i32 {
      %dma_start3A = arith.constant 0 : i32
      %dma_start3A_50 = tpu.memref_slice %arg10[%while3A_49, %dma_start3A] : memref<40x128xi32, #tpu.memory_space<vmem>> -> memref<1x128xi32, #tpu.memory_space<vmem>>
      %dma_start3A_51 = tpu.memref_squeeze %dma_start3A_50 : memref<1x128xi32, #tpu.memory_space<vmem>> -> memref<128xi32, #tpu.memory_space<vmem>>
      %dma_start3A_52 = arith.constant 0 : i32
      %dma_start3A_53 = arith.constant 0 : i32
      %dma_start3A_54 = tpu.memref_slice %arg15[%dma_start3A_52, %dma_start3A_53] : memref<10112x16xf32, #tpu.memory_space<vmem_shared>> -> memref<10112x16xf32, #tpu.memory_space<vmem_shared>>
      tpu.enqueue_indirect_dma source(%arg12 : memref<128x16xf32, #tpu.memory_space<vmem>>) target(%dma_start3A_54 : memref<10112x16xf32, #tpu.memory_space<vmem_shared>>) offsets(%dma_start3A_51 : memref<128xi32, #tpu.memory_space<vmem>>) semaphore(%arg14 : memref<!tpu.dma_semaphore, #tpu.memory_space<semaphore_mem>>) {add = true}
    }
    %scan3A_26 = arith.constant 0 : i32
    %scan3A_27 = arith.constant 0 : i32
    %scan3A_28 = arith.constant 40 : i32
    %scan3A_29 = arith.addi %scan3A_27, %scan3A_28 : i32
    %scan3A_30 = arith.constant 1 : i32
    scf.for %scan3A_49 = %scan3A_27 to %scan3A_29 step %scan3A_30  : i32 {
      %dma_wait3A = arith.constant 0 : i32
      %dma_wait3A_50 = arith.constant 0 : i32
      %dma_wait3A_51 = arith.constant 0 : i32
      %dma_wait3A_52 = tpu.memref_slice %arg11[%dma_wait3A_50, %dma_wait3A_51] : memref<5120x16xf32, #tpu.memory_space<vmem>> -> memref<128x16xf32, #tpu.memory_space<vmem>>
      %dma_wait3A_53 = arith.constant 0 : i32
      %dma_wait3A_54 = tpu.memref_slice %arg9[%dma_wait3A, %dma_wait3A_53] : memref<40x128xi32, #tpu.memory_space<vmem>> -> memref<1x128xi32, #tpu.memory_space<vmem>>
      %dma_wait3A_55 = tpu.memref_squeeze %dma_wait3A_54 : memref<1x128xi32, #tpu.memory_space<vmem>> -> memref<128xi32, #tpu.memory_space<vmem>>
      %dma_wait3A_56 = arith.constant 0 : i32
      %dma_wait3A_57 = arith.constant 0 : i32
      %dma_wait3A_58 = tpu.memref_slice %arg2[%dma_wait3A_56, %dma_wait3A_57] : memref<10112x16xf32, #tpu.memory_space<hbm>> -> memref<10112x16xf32, #tpu.memory_space<hbm>>
      tpu.wait_indirect_dma semaphore(%arg13 : memref<!tpu.dma_semaphore, #tpu.memory_space<semaphore_mem>>) src(%dma_wait3A_58 : memref<10112x16xf32, #tpu.memory_space<hbm>>) dst(%dma_wait3A_52 : memref<128x16xf32, #tpu.memory_space<vmem>>)
    }
    %scan3A_31 = arith.constant 40 : i32
    %mul3A_32 = arith.constant 5120 : i32
    %mul3A_33 = arith.muli %add3A, %mul3A_32 : i32
    "tpu.region"() ({
      %run_scoped3A = tpu.sem_alloc : memref<!tpu.dma_semaphore, #tpu.memory_space<semaphore_mem>>
      %dma_start3A = arith.constant 0 : i32
      %dma_start3A_49 = tpu.memref_slice %arg7[%mul3A_33, %dma_start3A] : memref<163840x16xf32, #tpu.memory_space<hbm>> -> memref<5120x16xf32, #tpu.memory_space<hbm>>
      %dma_start3A_50 = arith.constant 0 : i32
      %dma_start3A_51 = tpu.memref_slice %arg7[%mul3A_33, %dma_start3A_50] : memref<163840x16xf32, #tpu.memory_space<hbm>> -> memref<5120x16xf32, #tpu.memory_space<hbm>>
      tpu.enqueue_dma source(%arg11 : memref<5120x16xf32, #tpu.memory_space<vmem>>) target(%dma_start3A_51 : memref<5120x16xf32, #tpu.memory_space<hbm>>) target_semaphore(%run_scoped3A : memref<!tpu.dma_semaphore, #tpu.memory_space<semaphore_mem>>)
      %dma_wait3A = arith.constant 0 : i32
      %dma_wait3A_52 = tpu.memref_slice %arg7[%mul3A_33, %dma_wait3A] : memref<163840x16xf32, #tpu.memory_space<hbm>> -> memref<5120x16xf32, #tpu.memory_space<hbm>>
      %dma_wait3A_53 = arith.constant 0 : i32
      %dma_wait3A_54 = tpu.memref_slice %arg7[%mul3A_33, %dma_wait3A_53] : memref<163840x16xf32, #tpu.memory_space<hbm>> -> memref<5120x16xf32, #tpu.memory_space<hbm>>
      tpu.wait_dma2 semaphore(%run_scoped3A : memref<!tpu.dma_semaphore, #tpu.memory_space<semaphore_mem>>) src(%arg11 : memref<5120x16xf32, #tpu.memory_space<vmem>>) dst(%dma_wait3A_54 : memref<5120x16xf32, #tpu.memory_space<hbm>>)
      tpu.yield
    }) : () -> ()
    %while3A_34 = arith.constant 0 : i32
    %while3A_35 = arith.constant 0 : i32
    %while3A_36 = arith.subi %min3A_5, %while3A_35 : i32
    %while3A_37 = arith.addi %while3A_35, %while3A_36 : i32
    %while3A_38 = arith.constant 1 : i32
    %while3A_39 = arith.divsi %while3A_36, %while3A_38 : i32
    %while3A_40 = arith.muli %while3A_39, %while3A_38 : i32
    %while3A_41 = arith.addi %while3A_35, %while3A_40 : i32
    %while3A_42 = arith.constant 1 : i32
    scf.for %while3A_49 = %while3A_35 to %while3A_41 step %while3A_42  : i32 {
      %dma_wait3A = arith.constant 0 : i32
      %dma_wait3A_50 = arith.constant 0 : i32
      %dma_wait3A_51 = tpu.memref_slice %arg10[%dma_wait3A, %dma_wait3A_50] : memref<40x128xi32, #tpu.memory_space<vmem>> -> memref<1x128xi32, #tpu.memory_space<vmem>>
      %dma_wait3A_52 = tpu.memref_squeeze %dma_wait3A_51 : memref<1x128xi32, #tpu.memory_space<vmem>> -> memref<128xi32, #tpu.memory_space<vmem>>
      %dma_wait3A_53 = arith.constant 0 : i32
      %dma_wait3A_54 = arith.constant 0 : i32
      %dma_wait3A_55 = tpu.memref_slice %arg15[%dma_wait3A_53, %dma_wait3A_54] : memref<10112x16xf32, #tpu.memory_space<vmem_shared>> -> memref<10112x16xf32, #tpu.memory_space<vmem_shared>>
      tpu.wait_indirect_dma semaphore(%arg14 : memref<!tpu.dma_semaphore, #tpu.memory_space<semaphore_mem>>) src(%arg12 : memref<128x16xf32, #tpu.memory_space<vmem>>) dst(%dma_wait3A_55 : memref<10112x16xf32, #tpu.memory_space<vmem_shared>>)
    }
    %while3A_43 = arith.constant 1 : i32
    scf.for %while3A_49 = %while3A_41 to %while3A_37 step %while3A_43  : i32 {
      %dma_wait3A = arith.constant 0 : i32
      %dma_wait3A_50 = arith.constant 0 : i32
      %dma_wait3A_51 = tpu.memref_slice %arg10[%dma_wait3A, %dma_wait3A_50] : memref<40x128xi32, #tpu.memory_space<vmem>> -> memref<1x128xi32, #tpu.memory_space<vmem>>
      %dma_wait3A_52 = tpu.memref_squeeze %dma_wait3A_51 : memref<1x128xi32, #tpu.memory_space<vmem>> -> memref<128xi32, #tpu.memory_space<vmem>>
      %dma_wait3A_53 = arith.constant 0 : i32
      %dma_wait3A_54 = arith.constant 0 : i32
      %dma_wait3A_55 = tpu.memref_slice %arg15[%dma_wait3A_53, %dma_wait3A_54] : memref<10112x16xf32, #tpu.memory_space<vmem_shared>> -> memref<10112x16xf32, #tpu.memory_space<vmem_shared>>
      tpu.wait_indirect_dma semaphore(%arg14 : memref<!tpu.dma_semaphore, #tpu.memory_space<semaphore_mem>>) src(%arg12 : memref<128x16xf32, #tpu.memory_space<vmem>>) dst(%dma_wait3A_55 : memref<10112x16xf32, #tpu.memory_space<vmem_shared>>)
    }
    %barrier3A_44 = arith.constant 0 : index
    tpu.barrier barrier_id(%barrier3A_44)
    %mul3A_45 = arith.constant 632 : i32
    %mul3A_46 = arith.muli %arg1, %mul3A_45 : i32
    %mul3A_47 = arith.constant 632 : i32
    %mul3A_48 = arith.muli %arg1, %mul3A_47 : i32
    "tpu.region"() ({
      %run_scoped3A = tpu.sem_alloc : memref<!tpu.dma_semaphore, #tpu.memory_space<semaphore_mem>>
      %dma_start3A = arith.constant 0 : i32
      %dma_start3A_49 = tpu.memref_slice %arg8[%arg0, %mul3A_48, %dma_start3A] : memref<2x10112x16xf32, #tpu.memory_space<hbm>> -> memref<1x632x16xf32, #tpu.memory_space<hbm>>
      %dma_start3A_50 = tpu.memref_squeeze %dma_start3A_49 : memref<1x632x16xf32, #tpu.memory_space<hbm>> -> memref<632x16xf32, #tpu.memory_space<hbm>>
      %dma_start3A_51 = arith.constant 0 : i32
      %dma_start3A_52 = tpu.memref_slice %arg15[%mul3A_46, %dma_start3A_51] : memref<10112x16xf32, #tpu.memory_space<vmem_shared>> -> memref<632x16xf32, #tpu.memory_space<vmem_shared>>
      tpu.enqueue_dma source(%dma_start3A_52 : memref<632x16xf32, #tpu.memory_space<vmem_shared>>) target(%dma_start3A_50 : memref<632x16xf32, #tpu.memory_space<hbm>>) target_semaphore(%run_scoped3A : memref<!tpu.dma_semaphore, #tpu.memory_space<semaphore_mem>>)
      %dma_wait3A = arith.constant 0 : i32
      %dma_wait3A_53 = tpu.memref_slice %arg8[%arg0, %mul3A_48, %dma_wait3A] : memref<2x10112x16xf32, #tpu.memory_space<hbm>> -> memref<1x632x16xf32, #tpu.memory_space<hbm>>
      %dma_wait3A_54 = tpu.memref_squeeze %dma_wait3A_53 : memref<1x632x16xf32, #tpu.memory_space<hbm>> -> memref<632x16xf32, #tpu.memory_space<hbm>>
      %dma_wait3A_55 = arith.constant 0 : i32
      %dma_wait3A_56 = tpu.memref_slice %arg15[%mul3A_46, %dma_wait3A_55] : memref<10112x16xf32, #tpu.memory_space<vmem_shared>> -> memref<632x16xf32, #tpu.memory_space<vmem_shared>>
      tpu.wait_dma2 semaphore(%run_scoped3A : memref<!tpu.dma_semaphore, #tpu.memory_space<semaphore_mem>>) src(%dma_wait3A_56 : memref<632x16xf32, #tpu.memory_space<vmem_shared>>) dst(%dma_wait3A_54 : memref<632x16xf32, #tpu.memory_space<hbm>>)
      tpu.yield
    }) : () -> ()
    return
  }
}

#map = affine_map<(d0, d1) -> (0, 0)>
#map1 = affine_map<(d0, d1) -> (0, 0, 0)>
module attributes {stable_mosaic.version = 14 : i64} {
  func.func @body(%arg0: i32, %arg1: i32, %arg2: memref<160000x16xf32, #tpu.memory_space<hbm>>, %arg3: memref<1280x128xi32, #tpu.memory_space<hbm>>, %arg4: memref<632x16xf32, #tpu.memory_space<hbm>>, %arg5: memref<2x10112x16xf32, #tpu.memory_space<hbm>>, %arg6: memref<40x128xi32, #tpu.memory_space<vmem>>, %arg7: memref<5120x16xf32, #tpu.memory_space<vmem>>, %arg8: memref<!tpu.dma_semaphore, #tpu.memory_space<semaphore_mem>>, %arg9: memref<10112x16xf32, #tpu.memory_space<vmem_shared>>) attributes {dimension_semantics = [#tpu.dimension_semantics<core_parallel>, #tpu.dimension_semantics<subcore_parallel>], iteration_bounds = array<i64: 2, 16>, scalar_prefetch = 0 : i64, scratch_operands = 4 : i64, tpu.core_type = #tpu.core_type<sc_vector_subcore>, window_params = [{transform_indices = #map}, {transform_indices = #map}, {transform_indices = #map}, {transform_indices = #map1}]} {
    %mul3A = arith.constant 2 : i32
    %mul3A_0 = arith.muli %arg1, %mul3A : i32
    %add3A = arith.addi %mul3A_0, %arg0 : i32
    %mul3A_1 = arith.constant 40 : i32
    %mul3A_2 = arith.muli %add3A, %mul3A_1 : i32
    %sub3A = arith.constant 1250 : i32
    %sub3A_3 = arith.subi %sub3A, %mul3A_2 : i32
    %max3A = arith.constant 0 : i32
    %max3A_4 = arith.maxsi %sub3A_3, %max3A : i32
    %min3A = arith.constant 40 : i32
    %min3A_5 = arith.minsi %max3A_4, %min3A : i32
    %mul3A_6 = arith.constant 5120 : i32
    %mul3A_7 = arith.muli %add3A, %mul3A_6 : i32
    %min3A_8 = arith.constant 154880 : i32
    %min3A_9 = arith.minsi %mul3A_7, %min3A_8 : i32
    %mul3A_10 = arith.constant 40 : i32
    %mul3A_11 = arith.muli %add3A, %mul3A_10 : i32
    "tpu.region"() ({
      %run_scoped3A = tpu.sem_alloc : memref<!tpu.dma_semaphore, #tpu.memory_space<semaphore_mem>>
      %dma_start3A = arith.constant 0 : i32
      %dma_start3A_38 = tpu.memref_slice %arg3[%mul3A_11, %dma_start3A] : memref<1280x128xi32, #tpu.memory_space<hbm>> -> memref<40x128xi32, #tpu.memory_space<hbm>>
      %dma_start3A_39 = arith.constant 0 : i32
      %dma_start3A_40 = tpu.memref_slice %arg3[%mul3A_11, %dma_start3A_39] : memref<1280x128xi32, #tpu.memory_space<hbm>> -> memref<40x128xi32, #tpu.memory_space<hbm>>
      tpu.enqueue_dma source(%dma_start3A_40 : memref<40x128xi32, #tpu.memory_space<hbm>>) target(%arg6 : memref<40x128xi32, #tpu.memory_space<vmem>>) target_semaphore(%run_scoped3A : memref<!tpu.dma_semaphore, #tpu.memory_space<semaphore_mem>>)
      %dma_wait3A = arith.constant 0 : i32
      %dma_wait3A_41 = tpu.memref_slice %arg3[%mul3A_11, %dma_wait3A] : memref<1280x128xi32, #tpu.memory_space<hbm>> -> memref<40x128xi32, #tpu.memory_space<hbm>>
      %dma_wait3A_42 = arith.constant 0 : i32
      %dma_wait3A_43 = tpu.memref_slice %arg3[%mul3A_11, %dma_wait3A_42] : memref<1280x128xi32, #tpu.memory_space<hbm>> -> memref<40x128xi32, #tpu.memory_space<hbm>>
      tpu.wait_dma2 semaphore(%run_scoped3A : memref<!tpu.dma_semaphore, #tpu.memory_space<semaphore_mem>>) src(%dma_wait3A_43 : memref<40x128xi32, #tpu.memory_space<hbm>>) dst(%arg6 : memref<40x128xi32, #tpu.memory_space<vmem>>)
      tpu.yield
    }) : () -> ()
    "tpu.region"() ({
      %run_scoped3A = tpu.sem_alloc : memref<!tpu.dma_semaphore, #tpu.memory_space<semaphore_mem>>
      %dma_start3A = arith.constant 0 : i32
      %dma_start3A_38 = tpu.memref_slice %arg2[%min3A_9, %dma_start3A] : memref<160000x16xf32, #tpu.memory_space<hbm>> -> memref<5120x16xf32, #tpu.memory_space<hbm>>
      %dma_start3A_39 = arith.constant 0 : i32
      %dma_start3A_40 = tpu.memref_slice %arg2[%min3A_9, %dma_start3A_39] : memref<160000x16xf32, #tpu.memory_space<hbm>> -> memref<5120x16xf32, #tpu.memory_space<hbm>>
      tpu.enqueue_dma source(%dma_start3A_40 : memref<5120x16xf32, #tpu.memory_space<hbm>>) target(%arg7 : memref<5120x16xf32, #tpu.memory_space<vmem>>) target_semaphore(%run_scoped3A : memref<!tpu.dma_semaphore, #tpu.memory_space<semaphore_mem>>)
      %dma_wait3A = arith.constant 0 : i32
      %dma_wait3A_41 = tpu.memref_slice %arg2[%min3A_9, %dma_wait3A] : memref<160000x16xf32, #tpu.memory_space<hbm>> -> memref<5120x16xf32, #tpu.memory_space<hbm>>
      %dma_wait3A_42 = arith.constant 0 : i32
      %dma_wait3A_43 = tpu.memref_slice %arg2[%min3A_9, %dma_wait3A_42] : memref<160000x16xf32, #tpu.memory_space<hbm>> -> memref<5120x16xf32, #tpu.memory_space<hbm>>
      tpu.wait_dma2 semaphore(%run_scoped3A : memref<!tpu.dma_semaphore, #tpu.memory_space<semaphore_mem>>) src(%dma_wait3A_43 : memref<5120x16xf32, #tpu.memory_space<hbm>>) dst(%arg7 : memref<5120x16xf32, #tpu.memory_space<vmem>>)
      tpu.yield
    }) : () -> ()
    %mul3A_12 = arith.constant 632 : i32
    %mul3A_13 = arith.muli %arg1, %mul3A_12 : i32
    "tpu.region"() ({
      %run_scoped3A = tpu.sem_alloc : memref<!tpu.dma_semaphore, #tpu.memory_space<semaphore_mem>>
      %dma_start3A = arith.constant 0 : i32
      %dma_start3A_38 = tpu.memref_slice %arg9[%mul3A_13, %dma_start3A] : memref<10112x16xf32, #tpu.memory_space<vmem_shared>> -> memref<632x16xf32, #tpu.memory_space<vmem_shared>>
      tpu.enqueue_dma source(%arg4 : memref<632x16xf32, #tpu.memory_space<hbm>>) target(%dma_start3A_38 : memref<632x16xf32, #tpu.memory_space<vmem_shared>>) target_semaphore(%run_scoped3A : memref<!tpu.dma_semaphore, #tpu.memory_space<semaphore_mem>>)
      %dma_wait3A = arith.constant 0 : i32
      %dma_wait3A_39 = tpu.memref_slice %arg9[%mul3A_13, %dma_wait3A] : memref<10112x16xf32, #tpu.memory_space<vmem_shared>> -> memref<632x16xf32, #tpu.memory_space<vmem_shared>>
      tpu.wait_dma2 semaphore(%run_scoped3A : memref<!tpu.dma_semaphore, #tpu.memory_space<semaphore_mem>>) src(%arg4 : memref<632x16xf32, #tpu.memory_space<hbm>>) dst(%dma_wait3A_39 : memref<632x16xf32, #tpu.memory_space<vmem_shared>>)
      tpu.yield
    }) : () -> ()
    %barrier3A = arith.constant 0 : index
    tpu.barrier barrier_id(%barrier3A)
    %while3A = arith.constant 0 : i32
    %while3A_14 = arith.constant 0 : i32
    %while3A_15 = arith.subi %min3A_5, %while3A_14 : i32
    %while3A_16 = arith.addi %while3A_14, %while3A_15 : i32
    %while3A_17 = arith.constant 1 : i32
    %while3A_18 = arith.divsi %while3A_15, %while3A_17 : i32
    %while3A_19 = arith.muli %while3A_18, %while3A_17 : i32
    %while3A_20 = arith.addi %while3A_14, %while3A_19 : i32
    %while3A_21 = arith.constant 1 : i32
    scf.for %while3A_38 = %while3A_14 to %while3A_20 step %while3A_21  : i32 {
      %mul3A_39 = arith.constant 5120 : i32
      %mul3A_40 = arith.muli %add3A, %mul3A_39 : i32
      %mul3A_41 = arith.constant 128 : i32
      %mul3A_42 = arith.muli %while3A_38, %mul3A_41 : i32
      %add3A_43 = arith.addi %mul3A_40, %mul3A_42 : i32
      %sub3A_44 = arith.subi %add3A_43, %min3A_9 : i32
      %dma_start3A = arith.constant 0 : i32
      %dma_start3A_45 = tpu.memref_slice %arg7[%sub3A_44, %dma_start3A] : memref<5120x16xf32, #tpu.memory_space<vmem>> -> memref<128x16xf32, #tpu.memory_space<vmem>>
      %dma_start3A_46 = arith.constant 0 : i32
      %dma_start3A_47 = tpu.memref_slice %arg6[%while3A_38, %dma_start3A_46] : memref<40x128xi32, #tpu.memory_space<vmem>> -> memref<1x128xi32, #tpu.memory_space<vmem>>
      %dma_start3A_48 = tpu.memref_squeeze %dma_start3A_47 : memref<1x128xi32, #tpu.memory_space<vmem>> -> memref<128xi32, #tpu.memory_space<vmem>>
      %dma_start3A_49 = arith.constant 0 : i32
      %dma_start3A_50 = arith.constant 0 : i32
      %dma_start3A_51 = tpu.memref_slice %arg9[%dma_start3A_49, %dma_start3A_50] : memref<10112x16xf32, #tpu.memory_space<vmem_shared>> -> memref<10112x16xf32, #tpu.memory_space<vmem_shared>>
      tpu.enqueue_indirect_dma source(%dma_start3A_45 : memref<128x16xf32, #tpu.memory_space<vmem>>) target(%dma_start3A_51 : memref<10112x16xf32, #tpu.memory_space<vmem_shared>>) offsets(%dma_start3A_48 : memref<128xi32, #tpu.memory_space<vmem>>) semaphore(%arg8 : memref<!tpu.dma_semaphore, #tpu.memory_space<semaphore_mem>>) {add = true}
    }
    %while3A_22 = arith.constant 1 : i32
    scf.for %while3A_38 = %while3A_20 to %while3A_16 step %while3A_22  : i32 {
      %mul3A_39 = arith.constant 5120 : i32
      %mul3A_40 = arith.muli %add3A, %mul3A_39 : i32
      %mul3A_41 = arith.constant 128 : i32
      %mul3A_42 = arith.muli %while3A_38, %mul3A_41 : i32
      %add3A_43 = arith.addi %mul3A_40, %mul3A_42 : i32
      %sub3A_44 = arith.subi %add3A_43, %min3A_9 : i32
      %dma_start3A = arith.constant 0 : i32
      %dma_start3A_45 = tpu.memref_slice %arg7[%sub3A_44, %dma_start3A] : memref<5120x16xf32, #tpu.memory_space<vmem>> -> memref<128x16xf32, #tpu.memory_space<vmem>>
      %dma_start3A_46 = arith.constant 0 : i32
      %dma_start3A_47 = tpu.memref_slice %arg6[%while3A_38, %dma_start3A_46] : memref<40x128xi32, #tpu.memory_space<vmem>> -> memref<1x128xi32, #tpu.memory_space<vmem>>
      %dma_start3A_48 = tpu.memref_squeeze %dma_start3A_47 : memref<1x128xi32, #tpu.memory_space<vmem>> -> memref<128xi32, #tpu.memory_space<vmem>>
      %dma_start3A_49 = arith.constant 0 : i32
      %dma_start3A_50 = arith.constant 0 : i32
      %dma_start3A_51 = tpu.memref_slice %arg9[%dma_start3A_49, %dma_start3A_50] : memref<10112x16xf32, #tpu.memory_space<vmem_shared>> -> memref<10112x16xf32, #tpu.memory_space<vmem_shared>>
      tpu.enqueue_indirect_dma source(%dma_start3A_45 : memref<128x16xf32, #tpu.memory_space<vmem>>) target(%dma_start3A_51 : memref<10112x16xf32, #tpu.memory_space<vmem_shared>>) offsets(%dma_start3A_48 : memref<128xi32, #tpu.memory_space<vmem>>) semaphore(%arg8 : memref<!tpu.dma_semaphore, #tpu.memory_space<semaphore_mem>>) {add = true}
    }
    %while3A_23 = arith.constant 0 : i32
    %while3A_24 = arith.constant 0 : i32
    %while3A_25 = arith.subi %min3A_5, %while3A_24 : i32
    %while3A_26 = arith.addi %while3A_24, %while3A_25 : i32
    %while3A_27 = arith.constant 1 : i32
    %while3A_28 = arith.divsi %while3A_25, %while3A_27 : i32
    %while3A_29 = arith.muli %while3A_28, %while3A_27 : i32
    %while3A_30 = arith.addi %while3A_24, %while3A_29 : i32
    %while3A_31 = arith.constant 1 : i32
    scf.for %while3A_38 = %while3A_24 to %while3A_30 step %while3A_31  : i32 {
      %dma_wait3A = arith.constant 0 : i32
      %dma_wait3A_39 = arith.constant 0 : i32
      %dma_wait3A_40 = arith.constant 0 : i32
      %dma_wait3A_41 = tpu.memref_slice %arg7[%dma_wait3A_39, %dma_wait3A_40] : memref<5120x16xf32, #tpu.memory_space<vmem>> -> memref<128x16xf32, #tpu.memory_space<vmem>>
      %dma_wait3A_42 = arith.constant 0 : i32
      %dma_wait3A_43 = tpu.memref_slice %arg6[%dma_wait3A, %dma_wait3A_42] : memref<40x128xi32, #tpu.memory_space<vmem>> -> memref<1x128xi32, #tpu.memory_space<vmem>>
      %dma_wait3A_44 = tpu.memref_squeeze %dma_wait3A_43 : memref<1x128xi32, #tpu.memory_space<vmem>> -> memref<128xi32, #tpu.memory_space<vmem>>
      %dma_wait3A_45 = arith.constant 0 : i32
      %dma_wait3A_46 = arith.constant 0 : i32
      %dma_wait3A_47 = tpu.memref_slice %arg9[%dma_wait3A_45, %dma_wait3A_46] : memref<10112x16xf32, #tpu.memory_space<vmem_shared>> -> memref<10112x16xf32, #tpu.memory_space<vmem_shared>>
      tpu.wait_indirect_dma semaphore(%arg8 : memref<!tpu.dma_semaphore, #tpu.memory_space<semaphore_mem>>) src(%dma_wait3A_41 : memref<128x16xf32, #tpu.memory_space<vmem>>) dst(%dma_wait3A_47 : memref<10112x16xf32, #tpu.memory_space<vmem_shared>>)
    }
    %while3A_32 = arith.constant 1 : i32
    scf.for %while3A_38 = %while3A_30 to %while3A_26 step %while3A_32  : i32 {
      %dma_wait3A = arith.constant 0 : i32
      %dma_wait3A_39 = arith.constant 0 : i32
      %dma_wait3A_40 = arith.constant 0 : i32
      %dma_wait3A_41 = tpu.memref_slice %arg7[%dma_wait3A_39, %dma_wait3A_40] : memref<5120x16xf32, #tpu.memory_space<vmem>> -> memref<128x16xf32, #tpu.memory_space<vmem>>
      %dma_wait3A_42 = arith.constant 0 : i32
      %dma_wait3A_43 = tpu.memref_slice %arg6[%dma_wait3A, %dma_wait3A_42] : memref<40x128xi32, #tpu.memory_space<vmem>> -> memref<1x128xi32, #tpu.memory_space<vmem>>
      %dma_wait3A_44 = tpu.memref_squeeze %dma_wait3A_43 : memref<1x128xi32, #tpu.memory_space<vmem>> -> memref<128xi32, #tpu.memory_space<vmem>>
      %dma_wait3A_45 = arith.constant 0 : i32
      %dma_wait3A_46 = arith.constant 0 : i32
      %dma_wait3A_47 = tpu.memref_slice %arg9[%dma_wait3A_45, %dma_wait3A_46] : memref<10112x16xf32, #tpu.memory_space<vmem_shared>> -> memref<10112x16xf32, #tpu.memory_space<vmem_shared>>
      tpu.wait_indirect_dma semaphore(%arg8 : memref<!tpu.dma_semaphore, #tpu.memory_space<semaphore_mem>>) src(%dma_wait3A_41 : memref<128x16xf32, #tpu.memory_space<vmem>>) dst(%dma_wait3A_47 : memref<10112x16xf32, #tpu.memory_space<vmem_shared>>)
    }
    %barrier3A_33 = arith.constant 0 : index
    tpu.barrier barrier_id(%barrier3A_33)
    %mul3A_34 = arith.constant 632 : i32
    %mul3A_35 = arith.muli %arg1, %mul3A_34 : i32
    %mul3A_36 = arith.constant 632 : i32
    %mul3A_37 = arith.muli %arg1, %mul3A_36 : i32
    "tpu.region"() ({
      %run_scoped3A = tpu.sem_alloc : memref<!tpu.dma_semaphore, #tpu.memory_space<semaphore_mem>>
      %dma_start3A = arith.constant 0 : i32
      %dma_start3A_38 = tpu.memref_slice %arg5[%arg0, %mul3A_37, %dma_start3A] : memref<2x10112x16xf32, #tpu.memory_space<hbm>> -> memref<1x632x16xf32, #tpu.memory_space<hbm>>
      %dma_start3A_39 = tpu.memref_squeeze %dma_start3A_38 : memref<1x632x16xf32, #tpu.memory_space<hbm>> -> memref<632x16xf32, #tpu.memory_space<hbm>>
      %dma_start3A_40 = arith.constant 0 : i32
      %dma_start3A_41 = tpu.memref_slice %arg9[%mul3A_35, %dma_start3A_40] : memref<10112x16xf32, #tpu.memory_space<vmem_shared>> -> memref<632x16xf32, #tpu.memory_space<vmem_shared>>
      tpu.enqueue_dma source(%dma_start3A_41 : memref<632x16xf32, #tpu.memory_space<vmem_shared>>) target(%dma_start3A_39 : memref<632x16xf32, #tpu.memory_space<hbm>>) target_semaphore(%run_scoped3A : memref<!tpu.dma_semaphore, #tpu.memory_space<semaphore_mem>>)
      %dma_wait3A = arith.constant 0 : i32
      %dma_wait3A_42 = tpu.memref_slice %arg5[%arg0, %mul3A_37, %dma_wait3A] : memref<2x10112x16xf32, #tpu.memory_space<hbm>> -> memref<1x632x16xf32, #tpu.memory_space<hbm>>
      %dma_wait3A_43 = tpu.memref_squeeze %dma_wait3A_42 : memref<1x632x16xf32, #tpu.memory_space<hbm>> -> memref<632x16xf32, #tpu.memory_space<hbm>>
      %dma_wait3A_44 = arith.constant 0 : i32
      %dma_wait3A_45 = tpu.memref_slice %arg9[%mul3A_35, %dma_wait3A_44] : memref<10112x16xf32, #tpu.memory_space<vmem_shared>> -> memref<632x16xf32, #tpu.memory_space<vmem_shared>>
      tpu.wait_dma2 semaphore(%run_scoped3A : memref<!tpu.dma_semaphore, #tpu.memory_space<semaphore_mem>>) src(%dma_wait3A_45 : memref<632x16xf32, #tpu.memory_space<vmem_shared>>) dst(%dma_wait3A_43 : memref<632x16xf32, #tpu.memory_space<hbm>>)
      tpu.yield
    }) : () -> ()
    return
  }
}

#map = affine_map<(d0, d1) -> (0, 0)>
#map1 = affine_map<(d0, d1) -> (0, 0, 0)>
module attributes {stable_mosaic.version = 14 : i64} {
  func.func @body(%arg0: i32, %arg1: i32, %arg2: memref<160000x16xf32, #tpu.memory_space<hbm>>, %arg3: memref<1280x128xi32, #tpu.memory_space<hbm>>, %arg4: memref<632x16xf32, #tpu.memory_space<hbm>>, %arg5: memref<2x10112x16xf32, #tpu.memory_space<hbm>>, %arg6: memref<40x128xi32, #tpu.memory_space<vmem>>, %arg7: memref<5120x16xf32, #tpu.memory_space<vmem>>, %arg8: memref<!tpu.dma_semaphore, #tpu.memory_space<semaphore_mem>>, %arg9: memref<10112x16xf32, #tpu.memory_space<vmem_shared>>) attributes {dimension_semantics = [#tpu.dimension_semantics<core_parallel>, #tpu.dimension_semantics<subcore_parallel>], iteration_bounds = array<i64: 2, 16>, scalar_prefetch = 0 : i64, scratch_operands = 4 : i64, tpu.core_type = #tpu.core_type<sc_vector_subcore>, window_params = [{transform_indices = #map}, {transform_indices = #map}, {transform_indices = #map}, {transform_indices = #map1}]} {
    %mul3A = arith.constant 2 : i32
    %mul3A_0 = arith.muli %arg1, %mul3A : i32
    %add3A = arith.addi %mul3A_0, %arg0 : i32
    %mul3A_1 = arith.constant 40 : i32
    %mul3A_2 = arith.muli %add3A, %mul3A_1 : i32
    %sub3A = arith.constant 1250 : i32
    %sub3A_3 = arith.subi %sub3A, %mul3A_2 : i32
    %max3A = arith.constant 0 : i32
    %max3A_4 = arith.maxsi %sub3A_3, %max3A : i32
    %min3A = arith.constant 40 : i32
    %min3A_5 = arith.minsi %max3A_4, %min3A : i32
    %mul3A_6 = arith.constant 5120 : i32
    %mul3A_7 = arith.muli %add3A, %mul3A_6 : i32
    %min3A_8 = arith.constant 154880 : i32
    %min3A_9 = arith.minsi %mul3A_7, %min3A_8 : i32
    %mul3A_10 = arith.constant 40 : i32
    %mul3A_11 = arith.muli %add3A, %mul3A_10 : i32
    "tpu.region"() ({
      %run_scoped3A = tpu.sem_alloc : memref<!tpu.dma_semaphore, #tpu.memory_space<semaphore_mem>>
      %dma_start3A = arith.constant 0 : i32
      %dma_start3A_38 = tpu.memref_slice %arg3[%mul3A_11, %dma_start3A] : memref<1280x128xi32, #tpu.memory_space<hbm>> -> memref<40x128xi32, #tpu.memory_space<hbm>>
      %dma_start3A_39 = arith.constant 0 : i32
      %dma_start3A_40 = tpu.memref_slice %arg3[%mul3A_11, %dma_start3A_39] : memref<1280x128xi32, #tpu.memory_space<hbm>> -> memref<40x128xi32, #tpu.memory_space<hbm>>
      tpu.enqueue_dma source(%dma_start3A_40 : memref<40x128xi32, #tpu.memory_space<hbm>>) target(%arg6 : memref<40x128xi32, #tpu.memory_space<vmem>>) target_semaphore(%run_scoped3A : memref<!tpu.dma_semaphore, #tpu.memory_space<semaphore_mem>>)
      %dma_wait3A = arith.constant 0 : i32
      %dma_wait3A_41 = tpu.memref_slice %arg3[%mul3A_11, %dma_wait3A] : memref<1280x128xi32, #tpu.memory_space<hbm>> -> memref<40x128xi32, #tpu.memory_space<hbm>>
      %dma_wait3A_42 = arith.constant 0 : i32
      %dma_wait3A_43 = tpu.memref_slice %arg3[%mul3A_11, %dma_wait3A_42] : memref<1280x128xi32, #tpu.memory_space<hbm>> -> memref<40x128xi32, #tpu.memory_space<hbm>>
      tpu.wait_dma2 semaphore(%run_scoped3A : memref<!tpu.dma_semaphore, #tpu.memory_space<semaphore_mem>>) src(%dma_wait3A_43 : memref<40x128xi32, #tpu.memory_space<hbm>>) dst(%arg6 : memref<40x128xi32, #tpu.memory_space<vmem>>)
      tpu.yield
    }) : () -> ()
    "tpu.region"() ({
      %run_scoped3A = tpu.sem_alloc : memref<!tpu.dma_semaphore, #tpu.memory_space<semaphore_mem>>
      %dma_start3A = arith.constant 0 : i32
      %dma_start3A_38 = tpu.memref_slice %arg2[%min3A_9, %dma_start3A] : memref<160000x16xf32, #tpu.memory_space<hbm>> -> memref<5120x16xf32, #tpu.memory_space<hbm>>
      %dma_start3A_39 = arith.constant 0 : i32
      %dma_start3A_40 = tpu.memref_slice %arg2[%min3A_9, %dma_start3A_39] : memref<160000x16xf32, #tpu.memory_space<hbm>> -> memref<5120x16xf32, #tpu.memory_space<hbm>>
      tpu.enqueue_dma source(%dma_start3A_40 : memref<5120x16xf32, #tpu.memory_space<hbm>>) target(%arg7 : memref<5120x16xf32, #tpu.memory_space<vmem>>) target_semaphore(%run_scoped3A : memref<!tpu.dma_semaphore, #tpu.memory_space<semaphore_mem>>)
      %dma_wait3A = arith.constant 0 : i32
      %dma_wait3A_41 = tpu.memref_slice %arg2[%min3A_9, %dma_wait3A] : memref<160000x16xf32, #tpu.memory_space<hbm>> -> memref<5120x16xf32, #tpu.memory_space<hbm>>
      %dma_wait3A_42 = arith.constant 0 : i32
      %dma_wait3A_43 = tpu.memref_slice %arg2[%min3A_9, %dma_wait3A_42] : memref<160000x16xf32, #tpu.memory_space<hbm>> -> memref<5120x16xf32, #tpu.memory_space<hbm>>
      tpu.wait_dma2 semaphore(%run_scoped3A : memref<!tpu.dma_semaphore, #tpu.memory_space<semaphore_mem>>) src(%dma_wait3A_43 : memref<5120x16xf32, #tpu.memory_space<hbm>>) dst(%arg7 : memref<5120x16xf32, #tpu.memory_space<vmem>>)
      tpu.yield
    }) : () -> ()
    %mul3A_12 = arith.constant 632 : i32
    %mul3A_13 = arith.muli %arg1, %mul3A_12 : i32
    "tpu.region"() ({
      %run_scoped3A = tpu.sem_alloc : memref<!tpu.dma_semaphore, #tpu.memory_space<semaphore_mem>>
      %dma_start3A = arith.constant 0 : i32
      %dma_start3A_38 = tpu.memref_slice %arg9[%mul3A_13, %dma_start3A] : memref<10112x16xf32, #tpu.memory_space<vmem_shared>> -> memref<632x16xf32, #tpu.memory_space<vmem_shared>>
      tpu.enqueue_dma source(%arg4 : memref<632x16xf32, #tpu.memory_space<hbm>>) target(%dma_start3A_38 : memref<632x16xf32, #tpu.memory_space<vmem_shared>>) target_semaphore(%run_scoped3A : memref<!tpu.dma_semaphore, #tpu.memory_space<semaphore_mem>>)
      %dma_wait3A = arith.constant 0 : i32
      %dma_wait3A_39 = tpu.memref_slice %arg9[%mul3A_13, %dma_wait3A] : memref<10112x16xf32, #tpu.memory_space<vmem_shared>> -> memref<632x16xf32, #tpu.memory_space<vmem_shared>>
      tpu.wait_dma2 semaphore(%run_scoped3A : memref<!tpu.dma_semaphore, #tpu.memory_space<semaphore_mem>>) src(%arg4 : memref<632x16xf32, #tpu.memory_space<hbm>>) dst(%dma_wait3A_39 : memref<632x16xf32, #tpu.memory_space<vmem_shared>>)
      tpu.yield
    }) : () -> ()
    %barrier3A = arith.constant 0 : index
    tpu.barrier barrier_id(%barrier3A)
    %while3A = arith.constant 0 : i32
    %while3A_14 = arith.constant 0 : i32
    %while3A_15 = arith.subi %min3A_5, %while3A_14 : i32
    %while3A_16 = arith.addi %while3A_14, %while3A_15 : i32
    %while3A_17 = arith.constant 1 : i32
    %while3A_18 = arith.divsi %while3A_15, %while3A_17 : i32
    %while3A_19 = arith.muli %while3A_18, %while3A_17 : i32
    %while3A_20 = arith.addi %while3A_14, %while3A_19 : i32
    %while3A_21 = arith.constant 1 : i32
    scf.for %while3A_38 = %while3A_14 to %while3A_20 step %while3A_21  : i32 {
      %mul3A_39 = arith.constant 5120 : i32
      %mul3A_40 = arith.muli %add3A, %mul3A_39 : i32
      %mul3A_41 = arith.constant 128 : i32
      %mul3A_42 = arith.muli %while3A_38, %mul3A_41 : i32
      %add3A_43 = arith.addi %mul3A_40, %mul3A_42 : i32
      %sub3A_44 = arith.subi %add3A_43, %min3A_9 : i32
      %dma_start3A = arith.constant 0 : i32
      %dma_start3A_45 = tpu.memref_slice %arg7[%sub3A_44, %dma_start3A] : memref<5120x16xf32, #tpu.memory_space<vmem>> -> memref<128x16xf32, #tpu.memory_space<vmem>>
      %dma_start3A_46 = arith.constant 0 : i32
      %dma_start3A_47 = tpu.memref_slice %arg6[%while3A_38, %dma_start3A_46] : memref<40x128xi32, #tpu.memory_space<vmem>> -> memref<1x128xi32, #tpu.memory_space<vmem>>
      %dma_start3A_48 = tpu.memref_squeeze %dma_start3A_47 : memref<1x128xi32, #tpu.memory_space<vmem>> -> memref<128xi32, #tpu.memory_space<vmem>>
      %dma_start3A_49 = arith.constant 0 : i32
      %dma_start3A_50 = arith.constant 0 : i32
      %dma_start3A_51 = tpu.memref_slice %arg9[%dma_start3A_49, %dma_start3A_50] : memref<10112x16xf32, #tpu.memory_space<vmem_shared>> -> memref<10112x16xf32, #tpu.memory_space<vmem_shared>>
      tpu.enqueue_indirect_dma source(%dma_start3A_45 : memref<128x16xf32, #tpu.memory_space<vmem>>) target(%dma_start3A_51 : memref<10112x16xf32, #tpu.memory_space<vmem_shared>>) offsets(%dma_start3A_48 : memref<128xi32, #tpu.memory_space<vmem>>) semaphore(%arg8 : memref<!tpu.dma_semaphore, #tpu.memory_space<semaphore_mem>>) {add = true}
    }
    %while3A_22 = arith.constant 1 : i32
    scf.for %while3A_38 = %while3A_20 to %while3A_16 step %while3A_22  : i32 {
      %mul3A_39 = arith.constant 5120 : i32
      %mul3A_40 = arith.muli %add3A, %mul3A_39 : i32
      %mul3A_41 = arith.constant 128 : i32
      %mul3A_42 = arith.muli %while3A_38, %mul3A_41 : i32
      %add3A_43 = arith.addi %mul3A_40, %mul3A_42 : i32
      %sub3A_44 = arith.subi %add3A_43, %min3A_9 : i32
      %dma_start3A = arith.constant 0 : i32
      %dma_start3A_45 = tpu.memref_slice %arg7[%sub3A_44, %dma_start3A] : memref<5120x16xf32, #tpu.memory_space<vmem>> -> memref<128x16xf32, #tpu.memory_space<vmem>>
      %dma_start3A_46 = arith.constant 0 : i32
      %dma_start3A_47 = tpu.memref_slice %arg6[%while3A_38, %dma_start3A_46] : memref<40x128xi32, #tpu.memory_space<vmem>> -> memref<1x128xi32, #tpu.memory_space<vmem>>
      %dma_start3A_48 = tpu.memref_squeeze %dma_start3A_47 : memref<1x128xi32, #tpu.memory_space<vmem>> -> memref<128xi32, #tpu.memory_space<vmem>>
      %dma_start3A_49 = arith.constant 0 : i32
      %dma_start3A_50 = arith.constant 0 : i32
      %dma_start3A_51 = tpu.memref_slice %arg9[%dma_start3A_49, %dma_start3A_50] : memref<10112x16xf32, #tpu.memory_space<vmem_shared>> -> memref<10112x16xf32, #tpu.memory_space<vmem_shared>>
      tpu.enqueue_indirect_dma source(%dma_start3A_45 : memref<128x16xf32, #tpu.memory_space<vmem>>) target(%dma_start3A_51 : memref<10112x16xf32, #tpu.memory_space<vmem_shared>>) offsets(%dma_start3A_48 : memref<128xi32, #tpu.memory_space<vmem>>) semaphore(%arg8 : memref<!tpu.dma_semaphore, #tpu.memory_space<semaphore_mem>>) {add = true}
    }
    %while3A_23 = arith.constant 0 : i32
    %while3A_24 = arith.constant 0 : i32
    %while3A_25 = arith.subi %min3A_5, %while3A_24 : i32
    %while3A_26 = arith.addi %while3A_24, %while3A_25 : i32
    %while3A_27 = arith.constant 1 : i32
    %while3A_28 = arith.divsi %while3A_25, %while3A_27 : i32
    %while3A_29 = arith.muli %while3A_28, %while3A_27 : i32
    %while3A_30 = arith.addi %while3A_24, %while3A_29 : i32
    %while3A_31 = arith.constant 1 : i32
    scf.for %while3A_38 = %while3A_24 to %while3A_30 step %while3A_31  : i32 {
      %dma_wait3A = arith.constant 0 : i32
      %dma_wait3A_39 = arith.constant 0 : i32
      %dma_wait3A_40 = arith.constant 0 : i32
      %dma_wait3A_41 = tpu.memref_slice %arg7[%dma_wait3A_39, %dma_wait3A_40] : memref<5120x16xf32, #tpu.memory_space<vmem>> -> memref<128x16xf32, #tpu.memory_space<vmem>>
      %dma_wait3A_42 = arith.constant 0 : i32
      %dma_wait3A_43 = tpu.memref_slice %arg6[%dma_wait3A, %dma_wait3A_42] : memref<40x128xi32, #tpu.memory_space<vmem>> -> memref<1x128xi32, #tpu.memory_space<vmem>>
      %dma_wait3A_44 = tpu.memref_squeeze %dma_wait3A_43 : memref<1x128xi32, #tpu.memory_space<vmem>> -> memref<128xi32, #tpu.memory_space<vmem>>
      %dma_wait3A_45 = arith.constant 0 : i32
      %dma_wait3A_46 = arith.constant 0 : i32
      %dma_wait3A_47 = tpu.memref_slice %arg9[%dma_wait3A_45, %dma_wait3A_46] : memref<10112x16xf32, #tpu.memory_space<vmem_shared>> -> memref<10112x16xf32, #tpu.memory_space<vmem_shared>>
      tpu.wait_indirect_dma semaphore(%arg8 : memref<!tpu.dma_semaphore, #tpu.memory_space<semaphore_mem>>) src(%dma_wait3A_41 : memref<128x16xf32, #tpu.memory_space<vmem>>) dst(%dma_wait3A_47 : memref<10112x16xf32, #tpu.memory_space<vmem_shared>>)
    }
    %while3A_32 = arith.constant 1 : i32
    scf.for %while3A_38 = %while3A_30 to %while3A_26 step %while3A_32  : i32 {
      %dma_wait3A = arith.constant 0 : i32
      %dma_wait3A_39 = arith.constant 0 : i32
      %dma_wait3A_40 = arith.constant 0 : i32
      %dma_wait3A_41 = tpu.memref_slice %arg7[%dma_wait3A_39, %dma_wait3A_40] : memref<5120x16xf32, #tpu.memory_space<vmem>> -> memref<128x16xf32, #tpu.memory_space<vmem>>
      %dma_wait3A_42 = arith.constant 0 : i32
      %dma_wait3A_43 = tpu.memref_slice %arg6[%dma_wait3A, %dma_wait3A_42] : memref<40x128xi32, #tpu.memory_space<vmem>> -> memref<1x128xi32, #tpu.memory_space<vmem>>
      %dma_wait3A_44 = tpu.memref_squeeze %dma_wait3A_43 : memref<1x128xi32, #tpu.memory_space<vmem>> -> memref<128xi32, #tpu.memory_space<vmem>>
      %dma_wait3A_45 = arith.constant 0 : i32
      %dma_wait3A_46 = arith.constant 0 : i32
      %dma_wait3A_47 = tpu.memref_slice %arg9[%dma_wait3A_45, %dma_wait3A_46] : memref<10112x16xf32, #tpu.memory_space<vmem_shared>> -> memref<10112x16xf32, #tpu.memory_space<vmem_shared>>
      tpu.wait_indirect_dma semaphore(%arg8 : memref<!tpu.dma_semaphore, #tpu.memory_space<semaphore_mem>>) src(%dma_wait3A_41 : memref<128x16xf32, #tpu.memory_space<vmem>>) dst(%dma_wait3A_47 : memref<10112x16xf32, #tpu.memory_space<vmem_shared>>)
    }
    %barrier3A_33 = arith.constant 0 : index
    tpu.barrier barrier_id(%barrier3A_33)
    %mul3A_34 = arith.constant 632 : i32
    %mul3A_35 = arith.muli %arg1, %mul3A_34 : i32
    %mul3A_36 = arith.constant 632 : i32
    %mul3A_37 = arith.muli %arg1, %mul3A_36 : i32
    "tpu.region"() ({
      %run_scoped3A = tpu.sem_alloc : memref<!tpu.dma_semaphore, #tpu.memory_space<semaphore_mem>>
      %dma_start3A = arith.constant 0 : i32
      %dma_start3A_38 = tpu.memref_slice %arg5[%arg0, %mul3A_37, %dma_start3A] : memref<2x10112x16xf32, #tpu.memory_space<hbm>> -> memref<1x632x16xf32, #tpu.memory_space<hbm>>
      %dma_start3A_39 = tpu.memref_squeeze %dma_start3A_38 : memref<1x632x16xf32, #tpu.memory_space<hbm>> -> memref<632x16xf32, #tpu.memory_space<hbm>>
      %dma_start3A_40 = arith.constant 0 : i32
      %dma_start3A_41 = tpu.memref_slice %arg9[%mul3A_35, %dma_start3A_40] : memref<10112x16xf32, #tpu.memory_space<vmem_shared>> -> memref<632x16xf32, #tpu.memory_space<vmem_shared>>
      tpu.enqueue_dma source(%dma_start3A_41 : memref<632x16xf32, #tpu.memory_space<vmem_shared>>) target(%dma_start3A_39 : memref<632x16xf32, #tpu.memory_space<hbm>>) target_semaphore(%run_scoped3A : memref<!tpu.dma_semaphore, #tpu.memory_space<semaphore_mem>>)
      %dma_wait3A = arith.constant 0 : i32
      %dma_wait3A_42 = tpu.memref_slice %arg5[%arg0, %mul3A_37, %dma_wait3A] : memref<2x10112x16xf32, #tpu.memory_space<hbm>> -> memref<1x632x16xf32, #tpu.memory_space<hbm>>
      %dma_wait3A_43 = tpu.memref_squeeze %dma_wait3A_42 : memref<1x632x16xf32, #tpu.memory_space<hbm>> -> memref<632x16xf32, #tpu.memory_space<hbm>>
      %dma_wait3A_44 = arith.constant 0 : i32
      %dma_wait3A_45 = tpu.memref_slice %arg9[%mul3A_35, %dma_wait3A_44] : memref<10112x16xf32, #tpu.memory_space<vmem_shared>> -> memref<632x16xf32, #tpu.memory_space<vmem_shared>>
      tpu.wait_dma2 semaphore(%run_scoped3A : memref<!tpu.dma_semaphore, #tpu.memory_space<semaphore_mem>>) src(%dma_wait3A_45 : memref<632x16xf32, #tpu.memory_space<vmem_shared>>) dst(%dma_wait3A_43 : memref<632x16xf32, #tpu.memory_space<hbm>>)
      tpu.yield
    }) : () -> ()
    return
  }
}

module attributes {stable_mosaic.version = 14 : i64} {
  func.func @_enc_body(%arg0: memref<10000x128xf32, #tpu.memory_space<vmem>>, %arg1: memref<128x16xf32, #tpu.memory_space<vmem>>, %arg2: memref<1x16xf32, #tpu.memory_space<vmem>>, %arg3: memref<10112x16xf32, #tpu.memory_space<vmem>>) attributes {dimension_semantics = [], scalar_prefetch = 0 : i64, scratch_operands = 0 : i64, tpu.core_type = #tpu.core_type<tc>} {
    %get3A = arith.constant 0 : index
    %get3A_0 = arith.constant 0 : index
    %get3A_1 = vector.load %arg0[%get3A, %get3A_0] : memref<10000x128xf32, #tpu.memory_space<vmem>>, vector<10000x128xf32>
    %get3A_2 = arith.constant 0 : index
    %get3A_3 = arith.constant 0 : index
    %get3A_4 = vector.load %arg1[%get3A_2, %get3A_3] : memref<128x16xf32, #tpu.memory_space<vmem>>, vector<128x16xf32>
    %dot_general3A = arith.constant dense<0.000000e+00> : vector<10000x16xf32>
    %dot_general3A_5 = tpu.matmul %get3A_1, %get3A_4, %dot_general3A {dimension_numbers = #tpu.dot_dimension_numbers<[1], [0], [0], [1], [0, 0, 1, 1], [], []>, transpose_lhs_hint = false} : vector<10000x128xf32>, vector<128x16xf32>, vector<10000x16xf32> -> vector<10000x16xf32>
    %get3A_6 = arith.constant 0 : index
    %get3A_7 = arith.constant 0 : index
    %get3A_8 = vector.load %arg2[%get3A_6, %get3A_7] : memref<1x16xf32, #tpu.memory_space<vmem>>, vector<1x16xf32>
    %add3A = vector.broadcast %get3A_8 : vector<1x16xf32> to vector<10000x16xf32>
    %add3A_9 = arith.addf %dot_general3A_5, %add3A : vector<10000x16xf32>
    %swap3A = arith.constant 0 : index
    %swap3A_10 = arith.constant 0 : index
    %swap3A_11 = vector.load %arg3[%swap3A, %swap3A_10] : memref<10112x16xf32, #tpu.memory_space<vmem>>, vector<10000x16xf32>
    tpu.vector_store %arg3[%swap3A, %swap3A_10], %add3A_9 {strides = array<i32>} : memref<10112x16xf32, #tpu.memory_space<vmem>>, vector<10000x16xf32>,
    return
  }
}

module attributes {stable_mosaic.version = 14 : i64} {
  func.func @_msg_body(%arg0: i32, %arg1: memref<2000x128xf32, #tpu.memory_space<vmem>>, %arg2: memref<2000x128xf32, #tpu.memory_space<vmem>>, %arg3: memref<1x128x128xf32, #tpu.memory_space<vmem>>, %arg4: memref<1x1x128xf32, #tpu.memory_space<vmem>>, %arg5: memref<128x2048xbf16, #tpu.memory_space<vmem>>, %arg6: memref<128x2048xbf16, #tpu.memory_space<vmem>>, %arg7: memref<1x2048x128xbf16, #tpu.memory_space<vmem>>, %arg8: memref<1x128x128xf32, #tpu.memory_space<vmem>>, %arg9: memref<2000x128xf32, #tpu.memory_space<vmem>>) attributes {dimension_semantics = [#tpu.dimension_semantics<arbitrary>], iteration_bounds = array<i64: 10>, scalar_prefetch = 0 : i64, scratch_operands = 0 : i64, tpu.core_type = #tpu.core_type<tc>, window_params = [{transform_indices = @transform_0, window_bounds = array<i64: 2000, 128>}, {transform_indices = @transform_1, window_bounds = array<i64: 2000, 128>}, {transform_indices = @transform_2, window_bounds = array<i64: 1, 128, 128>}, {transform_indices = @transform_3, window_bounds = array<i64: 1, 1, 128>}, {pipeline_mode = #tpu.pipeline_mode<synchronous>, transform_indices = @transform_4, window_bounds = array<i64: 128, 2048>}, {pipeline_mode = #tpu.pipeline_mode<synchronous>, transform_indices = @transform_5, window_bounds = array<i64: 128, 2048>}, {transform_indices = @transform_6, window_bounds = array<i64: 1, 2048, 128>}, {transform_indices = @transform_7, window_bounds = array<i64: 1, 128, 128>}, {transform_indices = @transform_8, window_bounds = array<i64: 2000, 128>}]} {
    %get3A = arith.constant 0 : index
    %get3A_0 = arith.constant 0 : index
    %get3A_1 = vector.load %arg1[%get3A, %get3A_0] : memref<2000x128xf32, #tpu.memory_space<vmem>>, vector<2000x128xf32>
    %get3A_2 = arith.constant 0 : index
    %get3A_3 = arith.constant 0 : index
    %get3A_4 = vector.load %arg2[%get3A_2, %get3A_3] : memref<2000x128xf32, #tpu.memory_space<vmem>>, vector<2000x128xf32>
    %get3A_5 = arith.constant 0 : index
    %get3A_6 = arith.constant 0 : index
    %get3A_7 = arith.constant 0 : index
    %get3A_8 = vector.load %arg3[%get3A_5, %get3A_6, %get3A_7] : memref<1x128x128xf32, #tpu.memory_space<vmem>>, vector<1x128x128xf32>
    %get3A_9 = vector.shape_cast %get3A_8 : vector<1x128x128xf32> to vector<128x128xf32>
    %dot_general3A = arith.constant dense<0.000000e+00> : vector<2000x128xf32>
    %dot_general3A_10 = tpu.matmul %get3A_1, %get3A_9, %dot_general3A {dimension_numbers = #tpu.dot_dimension_numbers<[1], [0], [0], [1], [0, 0, 1, 1], [], []>, transpose_lhs_hint = false} : vector<2000x128xf32>, vector<128x128xf32>, vector<2000x128xf32> -> vector<2000x128xf32>
    %get3A_11 = arith.constant 0 : index
    %get3A_12 = arith.constant 0 : index
    %get3A_13 = arith.constant 0 : index
    %get3A_14 = vector.load %arg4[%get3A_11, %get3A_12, %get3A_13] : memref<1x1x128xf32, #tpu.memory_space<vmem>>, vector<1x1x128xf32>
    %get3A_15 = vector.shape_cast %get3A_14 : vector<1x1x128xf32> to vector<1x128xf32>
    %add3A = vector.broadcast %get3A_15 : vector<1x128xf32> to vector<2000x128xf32>
    %add3A_16 = arith.addf %dot_general3A_10, %add3A : vector<2000x128xf32>
    %max3A = arith.constant 0.000000e+00 : f32
    %max3A_17 = vector.broadcast %max3A : f32 to vector<2000x128xf32>
    %max3A_18 = arith.maximumf %add3A_16, %max3A_17 : vector<2000x128xf32>
    %convert_element_type3A = arith.truncf %max3A_18 : vector<2000x128xf32> to vector<2000x128xbf16>
    %get3A_19 = arith.constant 0 : index
    %get3A_20 = arith.constant 0 : index
    %get3A_21 = vector.load %arg5[%get3A_19, %get3A_20] : memref<128x2048xbf16, #tpu.memory_space<vmem>>, vector<128x2048xbf16>
    %dot_general3A_22 = arith.constant dense<0.000000e+00> : vector<2000x2048xf32>
    %dot_general3A_23 = tpu.matmul %convert_element_type3A, %get3A_21, %dot_general3A_22 {dimension_numbers = #tpu.dot_dimension_numbers<[1], [0], [0], [1], [0, 0, 1, 1], [], []>, transpose_lhs_hint = false} : vector<2000x128xbf16>, vector<128x2048xbf16>, vector<2000x2048xf32> -> vector<2000x2048xf32>
    %convert_element_type3A_24 = arith.truncf %get3A_4 : vector<2000x128xf32> to vector<2000x128xbf16>
    %get3A_25 = arith.constant 0 : index
    %get3A_26 = arith.constant 0 : index
    %get3A_27 = vector.load %arg6[%get3A_25, %get3A_26] : memref<128x2048xbf16, #tpu.memory_space<vmem>>, vector<128x2048xbf16>
    %dot_general3A_28 = arith.constant dense<0.000000e+00> : vector<2000x2048xf32>
    %dot_general3A_29 = tpu.matmul %convert_element_type3A_24, %get3A_27, %dot_general3A_28 {dimension_numbers = #tpu.dot_dimension_numbers<[1], [0], [0], [1], [0, 0, 1, 1], [], []>, transpose_lhs_hint = false} : vector<2000x128xbf16>, vector<128x2048xbf16>, vector<2000x2048xf32> -> vector<2000x2048xf32>
    %mul3A = arith.mulf %dot_general3A_23, %dot_general3A_29 : vector<2000x2048xf32>
    %convert_element_type3A_30 = arith.truncf %mul3A : vector<2000x2048xf32> to vector<2000x2048xbf16>
    %get3A_31 = arith.constant 0 : index
    %get3A_32 = arith.constant 0 : index
    %get3A_33 = arith.constant 0 : index
    %get3A_34 = vector.load %arg7[%get3A_31, %get3A_32, %get3A_33] : memref<1x2048x128xbf16, #tpu.memory_space<vmem>>, vector<1x2048x128xbf16>
    %get3A_35 = vector.shape_cast %get3A_34 : vector<1x2048x128xbf16> to vector<2048x128xbf16>
    %dot_general3A_36 = arith.constant dense<0.000000e+00> : vector<2000x128xf32>
    %dot_general3A_37 = tpu.matmul %convert_element_type3A_30, %get3A_35, %dot_general3A_36 {dimension_numbers = #tpu.dot_dimension_numbers<[1], [0], [0], [1], [0, 0, 1, 1], [], []>, transpose_lhs_hint = false} : vector<2000x2048xbf16>, vector<2048x128xbf16>, vector<2000x128xf32> -> vector<2000x128xf32>
    %get3A_38 = arith.constant 0 : index
    %get3A_39 = arith.constant 0 : index
    %get3A_40 = arith.constant 0 : index
    %get3A_41 = vector.load %arg8[%get3A_38, %get3A_39, %get3A_40] : memref<1x128x128xf32, #tpu.memory_space<vmem>>, vector<1x128x128xf32>
    %get3A_42 = vector.shape_cast %get3A_41 : vector<1x128x128xf32> to vector<128x128xf32>
    %dot_general3A_43 = arith.constant dense<0.000000e+00> : vector<2000x128xf32>
    %dot_general3A_44 = tpu.matmul %get3A_4, %get3A_42, %dot_general3A_43 {dimension_numbers = #tpu.dot_dimension_numbers<[1], [0], [0], [1], [0, 0, 1, 1], [], []>, transpose_lhs_hint = false} : vector<2000x128xf32>, vector<128x128xf32>, vector<2000x128xf32> -> vector<2000x128xf32>
    %add3A_45 = arith.addf %dot_general3A_37, %dot_general3A_44 : vector<2000x128xf32>
    %swap3A = arith.constant 0 : index
    %swap3A_46 = arith.constant 0 : index
    %swap3A_47 = vector.load %arg9[%swap3A, %swap3A_46] : memref<2000x128xf32, #tpu.memory_space<vmem>>, vector<2000x128xf32>
    tpu.vector_store %arg9[%swap3A, %swap3A_46], %add3A_45 {strides = array<i32>} : memref<2000x128xf32, #tpu.memory_space<vmem>>, vector<2000x128xf32>,
    return
  }
  func.func @transform_0(%arg0: i32) -> (i32, i32) {
    %c0_i32 = arith.constant 0 : i32
    %c0_i32_0 = arith.constant 0 : i32
    return %arg0, %c0_i32 : i32, i32
  }
  func.func @transform_1(%arg0: i32) -> (i32, i32) {
    %c0_i32 = arith.constant 0 : i32
    %c0_i32_0 = arith.constant 0 : i32
    return %arg0, %c0_i32 : i32, i32
  }
  func.func @transform_2(%arg0: i32) -> (i32, i32, i32) {
    %c0_i32 = arith.constant 0 : i32
    %c0_i32_0 = arith.constant 0 : i32
    %c0_i32_1 = arith.constant 0 : i32
    %c0_i32_2 = arith.constant 0 : i32
    return %c0_i32, %c0_i32_0, %c0_i32_1 : i32, i32, i32
  }
  func.func @transform_3(%arg0: i32) -> (i32, i32, i32) {
    %c0_i32 = arith.constant 0 : i32
    %c0_i32_0 = arith.constant 0 : i32
    %c0_i32_1 = arith.constant 0 : i32
    %c0_i32_2 = arith.constant 0 : i32
    return %c0_i32, %c0_i32_0, %c0_i32_1 : i32, i32, i32
  }
  func.func @transform_4(%arg0: i32) -> (i32, i32) {
    %c0_i32 = arith.constant 0 : i32
    %c0_i32_0 = arith.constant 0 : i32
    %c0_i32_1 = arith.constant 0 : i32
    return %c0_i32, %c0_i32_0 : i32, i32
  }
  func.func @transform_5(%arg0: i32) -> (i32, i32) {
    %c0_i32 = arith.constant 0 : i32
    %c0_i32_0 = arith.constant 0 : i32
    %c0_i32_1 = arith.constant 0 : i32
    return %c0_i32, %c0_i32_0 : i32, i32
  }
  func.func @transform_6(%arg0: i32) -> (i32, i32, i32) {
    %c0_i32 = arith.constant 0 : i32
    %c0_i32_0 = arith.constant 0 : i32
    %c0_i32_1 = arith.constant 0 : i32
    %c0_i32_2 = arith.constant 0 : i32
    return %c0_i32, %c0_i32_0, %c0_i32_1 : i32, i32, i32
  }
  func.func @transform_7(%arg0: i32) -> (i32, i32, i32) {
    %c0_i32 = arith.constant 0 : i32
    %c0_i32_0 = arith.constant 0 : i32
    %c0_i32_1 = arith.constant 0 : i32
    %c0_i32_2 = arith.constant 0 : i32
    return %c0_i32, %c0_i32_0, %c0_i32_1 : i32, i32, i32
  }
  func.func @transform_8(%arg0: i32) -> (i32, i32) {
    %c0_i32 = arith.constant 0 : i32
    %c0_i32_0 = arith.constant 0 : i32
    return %arg0, %c0_i32 : i32, i32
  }
}

module attributes {stable_mosaic.version = 14 : i64} {
  func.func @_upd_body(%arg0: memref<2x10112x16xf32, #tpu.memory_space<vmem>>, %arg1: memref<2x10112x16xf32, #tpu.memory_space<vmem>>, %arg2: memref<10112x16xf32, #tpu.memory_space<vmem>>, %arg3: memref<16x16xf32, #tpu.memory_space<vmem>>, %arg4: memref<1x16xf32, #tpu.memory_space<vmem>>, %arg5: memref<10112x16xf32, #tpu.memory_space<vmem>>) attributes {dimension_semantics = [], scalar_prefetch = 0 : i64, scratch_operands = 0 : i64, tpu.core_type = #tpu.core_type<tc>} {
    %get3A = arith.constant 0 : index
    %get3A_0 = arith.constant 0 : index
    %get3A_1 = arith.constant 0 : index
    %get3A_2 = vector.load %arg0[%get3A, %get3A_0, %get3A_1] : memref<2x10112x16xf32, #tpu.memory_space<vmem>>, vector<1x10112x16xf32>
    %get3A_3 = vector.shape_cast %get3A_2 : vector<1x10112x16xf32> to vector<10112x16xf32>
    %get3A_4 = arith.constant 1 : index
    %get3A_5 = arith.constant 0 : index
    %get3A_6 = arith.constant 0 : index
    %get3A_7 = vector.load %arg0[%get3A_4, %get3A_5, %get3A_6] : memref<2x10112x16xf32, #tpu.memory_space<vmem>>, vector<1x10112x16xf32>
    %get3A_8 = vector.shape_cast %get3A_7 : vector<1x10112x16xf32> to vector<10112x16xf32>
    %add3A = arith.addf %get3A_3, %get3A_8 : vector<10112x16xf32>
    %get3A_9 = arith.constant 0 : index
    %get3A_10 = arith.constant 0 : index
    %get3A_11 = arith.constant 0 : index
    %get3A_12 = vector.load %arg1[%get3A_9, %get3A_10, %get3A_11] : memref<2x10112x16xf32, #tpu.memory_space<vmem>>, vector<1x10112x16xf32>
    %get3A_13 = vector.shape_cast %get3A_12 : vector<1x10112x16xf32> to vector<10112x16xf32>
    %get3A_14 = arith.constant 1 : index
    %get3A_15 = arith.constant 0 : index
    %get3A_16 = arith.constant 0 : index
    %get3A_17 = vector.load %arg1[%get3A_14, %get3A_15, %get3A_16] : memref<2x10112x16xf32, #tpu.memory_space<vmem>>, vector<1x10112x16xf32>
    %get3A_18 = vector.shape_cast %get3A_17 : vector<1x10112x16xf32> to vector<10112x16xf32>
    %add3A_19 = arith.addf %get3A_13, %get3A_18 : vector<10112x16xf32>
    %max3A = arith.constant 1.000000e+00 : f32
    %max3A_20 = vector.broadcast %max3A : f32 to vector<10112x16xf32>
    %max3A_21 = arith.maximumf %add3A_19, %max3A_20 : vector<10112x16xf32>
    %div3A = arith.constant 1.000000e+00 : f32
    %div3A_22 = vector.broadcast %div3A : f32 to vector<10112x16xf32>
    %div3A_23 = arith.divf %div3A_22, %max3A_21 : vector<10112x16xf32>
    %mul3A = arith.mulf %add3A, %div3A_23 : vector<10112x16xf32>
    %get3A_24 = arith.constant 0 : index
    %get3A_25 = arith.constant 0 : index
    %get3A_26 = vector.load %arg2[%get3A_24, %get3A_25] : memref<10112x16xf32, #tpu.memory_space<vmem>>, vector<10112x16xf32>
    %get3A_27 = arith.constant 0 : index
    %get3A_28 = arith.constant 0 : index
    %get3A_29 = vector.load %arg3[%get3A_27, %get3A_28] : memref<16x16xf32, #tpu.memory_space<vmem>>, vector<16x16xf32>
    %dot_general3A = arith.constant dense<0.000000e+00> : vector<10112x16xf32>
    %dot_general3A_30 = tpu.matmul %get3A_26, %get3A_29, %dot_general3A {dimension_numbers = #tpu.dot_dimension_numbers<[1], [0], [0], [1], [0, 0, 1, 1], [], []>, transpose_lhs_hint = false} : vector<10112x16xf32>, vector<16x16xf32>, vector<10112x16xf32> -> vector<10112x16xf32>
    %add3A_31 = arith.addf %mul3A, %dot_general3A_30 : vector<10112x16xf32>
    %get3A_32 = arith.constant 0 : index
    %get3A_33 = arith.constant 0 : index
    %get3A_34 = vector.load %arg4[%get3A_32, %get3A_33] : memref<1x16xf32, #tpu.memory_space<vmem>>, vector<1x16xf32>
    %add3A_35 = vector.broadcast %get3A_34 : vector<1x16xf32> to vector<10112x16xf32>
    %add3A_36 = arith.addf %add3A_31, %add3A_35 : vector<10112x16xf32>
    %max3A_37 = arith.constant 0.000000e+00 : f32
    %max3A_38 = vector.broadcast %max3A_37 : f32 to vector<10112x16xf32>
    %max3A_39 = arith.maximumf %add3A_36, %max3A_38 : vector<10112x16xf32>
    %swap3A = arith.constant 0 : index
    %swap3A_40 = arith.constant 0 : index
    %swap3A_41 = vector.load %arg5[%swap3A, %swap3A_40] : memref<10112x16xf32, #tpu.memory_space<vmem>>, vector<10112x16xf32>
    tpu.vector_store %arg5[%swap3A, %swap3A_40], %max3A_39 {strides = array<i32>} : memref<10112x16xf32, #tpu.memory_space<vmem>>, vector<10112x16xf32>,
    return
  }
}

module attributes {stable_mosaic.version = 14 : i64} {
  func.func @_msg_body(%arg0: i32, %arg1: memref<2000x128xf32, #tpu.memory_space<vmem>>, %arg2: memref<2000x128xf32, #tpu.memory_space<vmem>>, %arg3: memref<1x128x128xf32, #tpu.memory_space<vmem>>, %arg4: memref<1x1x128xf32, #tpu.memory_space<vmem>>, %arg5: memref<128x2048xbf16, #tpu.memory_space<vmem>>, %arg6: memref<128x2048xbf16, #tpu.memory_space<vmem>>, %arg7: memref<1x2048x128xbf16, #tpu.memory_space<vmem>>, %arg8: memref<1x128x128xf32, #tpu.memory_space<vmem>>, %arg9: memref<2000x128xf32, #tpu.memory_space<vmem>>) attributes {dimension_semantics = [#tpu.dimension_semantics<arbitrary>], iteration_bounds = array<i64: 10>, scalar_prefetch = 0 : i64, scratch_operands = 0 : i64, tpu.core_type = #tpu.core_type<tc>, window_params = [{transform_indices = @transform_0, window_bounds = array<i64: 2000, 128>}, {transform_indices = @transform_1, window_bounds = array<i64: 2000, 128>}, {transform_indices = @transform_2, window_bounds = array<i64: 1, 128, 128>}, {transform_indices = @transform_3, window_bounds = array<i64: 1, 1, 128>}, {pipeline_mode = #tpu.pipeline_mode<synchronous>, transform_indices = @transform_4, window_bounds = array<i64: 128, 2048>}, {pipeline_mode = #tpu.pipeline_mode<synchronous>, transform_indices = @transform_5, window_bounds = array<i64: 128, 2048>}, {transform_indices = @transform_6, window_bounds = array<i64: 1, 2048, 128>}, {transform_indices = @transform_7, window_bounds = array<i64: 1, 128, 128>}, {transform_indices = @transform_8, window_bounds = array<i64: 2000, 128>}]} {
    %get3A = arith.constant 0 : index
    %get3A_0 = arith.constant 0 : index
    %get3A_1 = vector.load %arg1[%get3A, %get3A_0] : memref<2000x128xf32, #tpu.memory_space<vmem>>, vector<2000x128xf32>
    %get3A_2 = arith.constant 0 : index
    %get3A_3 = arith.constant 0 : index
    %get3A_4 = vector.load %arg2[%get3A_2, %get3A_3] : memref<2000x128xf32, #tpu.memory_space<vmem>>, vector<2000x128xf32>
    %get3A_5 = arith.constant 0 : index
    %get3A_6 = arith.constant 0 : index
    %get3A_7 = arith.constant 0 : index
    %get3A_8 = vector.load %arg3[%get3A_5, %get3A_6, %get3A_7] : memref<1x128x128xf32, #tpu.memory_space<vmem>>, vector<1x128x128xf32>
    %get3A_9 = vector.shape_cast %get3A_8 : vector<1x128x128xf32> to vector<128x128xf32>
    %dot_general3A = arith.constant dense<0.000000e+00> : vector<2000x128xf32>
    %dot_general3A_10 = tpu.matmul %get3A_1, %get3A_9, %dot_general3A {dimension_numbers = #tpu.dot_dimension_numbers<[1], [0], [0], [1], [0, 0, 1, 1], [], []>, transpose_lhs_hint = false} : vector<2000x128xf32>, vector<128x128xf32>, vector<2000x128xf32> -> vector<2000x128xf32>
    %get3A_11 = arith.constant 0 : index
    %get3A_12 = arith.constant 0 : index
    %get3A_13 = arith.constant 0 : index
    %get3A_14 = vector.load %arg4[%get3A_11, %get3A_12, %get3A_13] : memref<1x1x128xf32, #tpu.memory_space<vmem>>, vector<1x1x128xf32>
    %get3A_15 = vector.shape_cast %get3A_14 : vector<1x1x128xf32> to vector<1x128xf32>
    %add3A = vector.broadcast %get3A_15 : vector<1x128xf32> to vector<2000x128xf32>
    %add3A_16 = arith.addf %dot_general3A_10, %add3A : vector<2000x128xf32>
    %max3A = arith.constant 0.000000e+00 : f32
    %max3A_17 = vector.broadcast %max3A : f32 to vector<2000x128xf32>
    %max3A_18 = arith.maximumf %add3A_16, %max3A_17 : vector<2000x128xf32>
    %convert_element_type3A = arith.truncf %max3A_18 : vector<2000x128xf32> to vector<2000x128xbf16>
    %get3A_19 = arith.constant 0 : index
    %get3A_20 = arith.constant 0 : index
    %get3A_21 = vector.load %arg5[%get3A_19, %get3A_20] : memref<128x2048xbf16, #tpu.memory_space<vmem>>, vector<128x2048xbf16>
    %dot_general3A_22 = arith.constant dense<0.000000e+00> : vector<2000x2048xf32>
    %dot_general3A_23 = tpu.matmul %convert_element_type3A, %get3A_21, %dot_general3A_22 {dimension_numbers = #tpu.dot_dimension_numbers<[1], [0], [0], [1], [0, 0, 1, 1], [], []>, transpose_lhs_hint = false} : vector<2000x128xbf16>, vector<128x2048xbf16>, vector<2000x2048xf32> -> vector<2000x2048xf32>
    %convert_element_type3A_24 = arith.truncf %get3A_4 : vector<2000x128xf32> to vector<2000x128xbf16>
    %get3A_25 = arith.constant 0 : index
    %get3A_26 = arith.constant 0 : index
    %get3A_27 = vector.load %arg6[%get3A_25, %get3A_26] : memref<128x2048xbf16, #tpu.memory_space<vmem>>, vector<128x2048xbf16>
    %dot_general3A_28 = arith.constant dense<0.000000e+00> : vector<2000x2048xf32>
    %dot_general3A_29 = tpu.matmul %convert_element_type3A_24, %get3A_27, %dot_general3A_28 {dimension_numbers = #tpu.dot_dimension_numbers<[1], [0], [0], [1], [0, 0, 1, 1], [], []>, transpose_lhs_hint = false} : vector<2000x128xbf16>, vector<128x2048xbf16>, vector<2000x2048xf32> -> vector<2000x2048xf32>
    %mul3A = arith.mulf %dot_general3A_23, %dot_general3A_29 : vector<2000x2048xf32>
    %convert_element_type3A_30 = arith.truncf %mul3A : vector<2000x2048xf32> to vector<2000x2048xbf16>
    %get3A_31 = arith.constant 0 : index
    %get3A_32 = arith.constant 0 : index
    %get3A_33 = arith.constant 0 : index
    %get3A_34 = vector.load %arg7[%get3A_31, %get3A_32, %get3A_33] : memref<1x2048x128xbf16, #tpu.memory_space<vmem>>, vector<1x2048x128xbf16>
    %get3A_35 = vector.shape_cast %get3A_34 : vector<1x2048x128xbf16> to vector<2048x128xbf16>
    %dot_general3A_36 = arith.constant dense<0.000000e+00> : vector<2000x128xf32>
    %dot_general3A_37 = tpu.matmul %convert_element_type3A_30, %get3A_35, %dot_general3A_36 {dimension_numbers = #tpu.dot_dimension_numbers<[1], [0], [0], [1], [0, 0, 1, 1], [], []>, transpose_lhs_hint = false} : vector<2000x2048xbf16>, vector<2048x128xbf16>, vector<2000x128xf32> -> vector<2000x128xf32>
    %get3A_38 = arith.constant 0 : index
    %get3A_39 = arith.constant 0 : index
    %get3A_40 = arith.constant 0 : index
    %get3A_41 = vector.load %arg8[%get3A_38, %get3A_39, %get3A_40] : memref<1x128x128xf32, #tpu.memory_space<vmem>>, vector<1x128x128xf32>
    %get3A_42 = vector.shape_cast %get3A_41 : vector<1x128x128xf32> to vector<128x128xf32>
    %dot_general3A_43 = arith.constant dense<0.000000e+00> : vector<2000x128xf32>
    %dot_general3A_44 = tpu.matmul %get3A_4, %get3A_42, %dot_general3A_43 {dimension_numbers = #tpu.dot_dimension_numbers<[1], [0], [0], [1], [0, 0, 1, 1], [], []>, transpose_lhs_hint = false} : vector<2000x128xf32>, vector<128x128xf32>, vector<2000x128xf32> -> vector<2000x128xf32>
    %add3A_45 = arith.addf %dot_general3A_37, %dot_general3A_44 : vector<2000x128xf32>
    %swap3A = arith.constant 0 : index
    %swap3A_46 = arith.constant 0 : index
    %swap3A_47 = vector.load %arg9[%swap3A, %swap3A_46] : memref<2000x128xf32, #tpu.memory_space<vmem>>, vector<2000x128xf32>
    tpu.vector_store %arg9[%swap3A, %swap3A_46], %add3A_45 {strides = array<i32>} : memref<2000x128xf32, #tpu.memory_space<vmem>>, vector<2000x128xf32>,
    return
  }
  func.func @transform_0(%arg0: i32) -> (i32, i32) {
    %c0_i32 = arith.constant 0 : i32
    %c0_i32_0 = arith.constant 0 : i32
    return %arg0, %c0_i32 : i32, i32
  }
  func.func @transform_1(%arg0: i32) -> (i32, i32) {
    %c0_i32 = arith.constant 0 : i32
    %c0_i32_0 = arith.constant 0 : i32
    return %arg0, %c0_i32 : i32, i32
  }
  func.func @transform_2(%arg0: i32) -> (i32, i32, i32) {
    %c1_i32 = arith.constant 1 : i32
    %c0_i32 = arith.constant 0 : i32
    %c0_i32_0 = arith.constant 0 : i32
    %c0_i32_1 = arith.constant 0 : i32
    return %c1_i32, %c0_i32, %c0_i32_0 : i32, i32, i32
  }
  func.func @transform_3(%arg0: i32) -> (i32, i32, i32) {
    %c1_i32 = arith.constant 1 : i32
    %c0_i32 = arith.constant 0 : i32
    %c0_i32_0 = arith.constant 0 : i32
    %c0_i32_1 = arith.constant 0 : i32
    return %c1_i32, %c0_i32, %c0_i32_0 : i32, i32, i32
  }
  func.func @transform_4(%arg0: i32) -> (i32, i32) {
    %c0_i32 = arith.constant 0 : i32
    %c0_i32_0 = arith.constant 0 : i32
    %c0_i32_1 = arith.constant 0 : i32
    return %c0_i32, %c0_i32_0 : i32, i32
  }
  func.func @transform_5(%arg0: i32) -> (i32, i32) {
    %c0_i32 = arith.constant 0 : i32
    %c0_i32_0 = arith.constant 0 : i32
    %c0_i32_1 = arith.constant 0 : i32
    return %c0_i32, %c0_i32_0 : i32, i32
  }
  func.func @transform_6(%arg0: i32) -> (i32, i32, i32) {
    %c1_i32 = arith.constant 1 : i32
    %c0_i32 = arith.constant 0 : i32
    %c0_i32_0 = arith.constant 0 : i32
    %c0_i32_1 = arith.constant 0 : i32
    return %c1_i32, %c0_i32, %c0_i32_0 : i32, i32, i32
  }
  func.func @transform_7(%arg0: i32) -> (i32, i32, i32) {
    %c1_i32 = arith.constant 1 : i32
    %c0_i32 = arith.constant 0 : i32
    %c0_i32_0 = arith.constant 0 : i32
    %c0_i32_1 = arith.constant 0 : i32
    return %c1_i32, %c0_i32, %c0_i32_0 : i32, i32, i32
  }
  func.func @transform_8(%arg0: i32) -> (i32, i32) {
    %c0_i32 = arith.constant 0 : i32
    %c0_i32_0 = arith.constant 0 : i32
    return %arg0, %c0_i32 : i32, i32
  }
}

module attributes {stable_mosaic.version = 14 : i64} {
  func.func @_updout_body(%arg0: memref<2x10112x16xf32, #tpu.memory_space<vmem>>, %arg1: memref<2x10112x16xf32, #tpu.memory_space<vmem>>, %arg2: memref<10112x16xf32, #tpu.memory_space<vmem>>, %arg3: memref<16x16xf32, #tpu.memory_space<vmem>>, %arg4: memref<1x16xf32, #tpu.memory_space<vmem>>, %arg5: memref<16x128xf32, #tpu.memory_space<vmem>>, %arg6: memref<1x128xf32, #tpu.memory_space<vmem>>, %arg7: memref<10000x128xf32, #tpu.memory_space<vmem>>) attributes {dimension_semantics = [], scalar_prefetch = 0 : i64, scratch_operands = 0 : i64, tpu.core_type = #tpu.core_type<tc>} {
    %get3A = arith.constant 0 : index
    %get3A_0 = arith.constant 0 : index
    %get3A_1 = arith.constant 0 : index
    %get3A_2 = vector.load %arg0[%get3A, %get3A_0, %get3A_1] : memref<2x10112x16xf32, #tpu.memory_space<vmem>>, vector<1x10000x16xf32>
    %get3A_3 = vector.shape_cast %get3A_2 : vector<1x10000x16xf32> to vector<10000x16xf32>
    %get3A_4 = arith.constant 1 : index
    %get3A_5 = arith.constant 0 : index
    %get3A_6 = arith.constant 0 : index
    %get3A_7 = vector.load %arg0[%get3A_4, %get3A_5, %get3A_6] : memref<2x10112x16xf32, #tpu.memory_space<vmem>>, vector<1x10000x16xf32>
    %get3A_8 = vector.shape_cast %get3A_7 : vector<1x10000x16xf32> to vector<10000x16xf32>
    %add3A = arith.addf %get3A_3, %get3A_8 : vector<10000x16xf32>
    %get3A_9 = arith.constant 0 : index
    %get3A_10 = arith.constant 0 : index
    %get3A_11 = arith.constant 0 : index
    %get3A_12 = vector.load %arg1[%get3A_9, %get3A_10, %get3A_11] : memref<2x10112x16xf32, #tpu.memory_space<vmem>>, vector<1x10000x16xf32>
    %get3A_13 = vector.shape_cast %get3A_12 : vector<1x10000x16xf32> to vector<10000x16xf32>
    %get3A_14 = arith.constant 1 : index
    %get3A_15 = arith.constant 0 : index
    %get3A_16 = arith.constant 0 : index
    %get3A_17 = vector.load %arg1[%get3A_14, %get3A_15, %get3A_16] : memref<2x10112x16xf32, #tpu.memory_space<vmem>>, vector<1x10000x16xf32>
    %get3A_18 = vector.shape_cast %get3A_17 : vector<1x10000x16xf32> to vector<10000x16xf32>
    %add3A_19 = arith.addf %get3A_13, %get3A_18 : vector<10000x16xf32>
    %max3A = arith.constant 1.000000e+00 : f32
    %max3A_20 = vector.broadcast %max3A : f32 to vector<10000x16xf32>
    %max3A_21 = arith.maximumf %add3A_19, %max3A_20 : vector<10000x16xf32>
    %div3A = arith.constant 1.000000e+00 : f32
    %div3A_22 = vector.broadcast %div3A : f32 to vector<10000x16xf32>
    %div3A_23 = arith.divf %div3A_22, %max3A_21 : vector<10000x16xf32>
    %mul3A = arith.mulf %add3A, %div3A_23 : vector<10000x16xf32>
    %get3A_24 = arith.constant 0 : index
    %get3A_25 = arith.constant 0 : index
    %get3A_26 = vector.load %arg2[%get3A_24, %get3A_25] : memref<10112x16xf32, #tpu.memory_space<vmem>>, vector<10000x16xf32>
    %get3A_27 = arith.constant 0 : index
    %get3A_28 = arith.constant 0 : index
    %get3A_29 = vector.load %arg3[%get3A_27, %get3A_28] : memref<16x16xf32, #tpu.memory_space<vmem>>, vector<16x16xf32>
    %dot_general3A = arith.constant dense<0.000000e+00> : vector<10000x16xf32>
    %dot_general3A_30 = tpu.matmul %get3A_26, %get3A_29, %dot_general3A {dimension_numbers = #tpu.dot_dimension_numbers<[1], [0], [0], [1], [0, 0, 1, 1], [], []>, transpose_lhs_hint = false} : vector<10000x16xf32>, vector<16x16xf32>, vector<10000x16xf32> -> vector<10000x16xf32>
    %add3A_31 = arith.addf %mul3A, %dot_general3A_30 : vector<10000x16xf32>
    %get3A_32 = arith.constant 0 : index
    %get3A_33 = arith.constant 0 : index
    %get3A_34 = vector.load %arg4[%get3A_32, %get3A_33] : memref<1x16xf32, #tpu.memory_space<vmem>>, vector<1x16xf32>
    %add3A_35 = vector.broadcast %get3A_34 : vector<1x16xf32> to vector<10000x16xf32>
    %add3A_36 = arith.addf %add3A_31, %add3A_35 : vector<10000x16xf32>
    %max3A_37 = arith.constant 0.000000e+00 : f32
    %max3A_38 = vector.broadcast %max3A_37 : f32 to vector<10000x16xf32>
    %max3A_39 = arith.maximumf %add3A_36, %max3A_38 : vector<10000x16xf32>
    %get3A_40 = arith.constant 0 : index
    %get3A_41 = arith.constant 0 : index
    %get3A_42 = vector.load %arg5[%get3A_40, %get3A_41] : memref<16x128xf32, #tpu.memory_space<vmem>>, vector<16x128xf32>
    %dot_general3A_43 = arith.constant dense<0.000000e+00> : vector<10000x128xf32>
    %dot_general3A_44 = tpu.matmul %max3A_39, %get3A_42, %dot_general3A_43 {dimension_numbers = #tpu.dot_dimension_numbers<[1], [0], [0], [1], [0, 0, 1, 1], [], []>, transpose_lhs_hint = false} : vector<10000x16xf32>, vector<16x128xf32>, vector<10000x128xf32> -> vector<10000x128xf32>
    %get3A_45 = arith.constant 0 : index
    %get3A_46 = arith.constant 0 : index
    %get3A_47 = vector.load %arg6[%get3A_45, %get3A_46] : memref<1x128xf32, #tpu.memory_space<vmem>>, vector<1x128xf32>
    %add3A_48 = vector.broadcast %get3A_47 : vector<1x128xf32> to vector<10000x128xf32>
    %add3A_49 = arith.addf %dot_general3A_44, %add3A_48 : vector<10000x128xf32>
    %swap3A = arith.constant 0 : index
    %swap3A_50 = arith.constant 0 : index
    %swap3A_51 = vector.load %arg7[%swap3A, %swap3A_50] : memref<10000x128xf32, #tpu.memory_space<vmem>>, vector<10000x128xf32>
    tpu.vector_store %arg7[%swap3A, %swap3A_50], %add3A_49 {strides = array<i32>} : memref<10000x128xf32, #tpu.memory_space<vmem>>, vector<10000x128xf32>,
    return
  }
}

</mosaic_0001>

<sc_bundles>
// kernel: kernel.11.cloned.1.call-start
scs
__scs_entry_jumppad:
0x0: {  	(pc) =	sbr.rel $0x88, $3  }
0x1: {  	(tag) =	ssettag $0x0;
	lr =	simm.s32 $0x1  }
0x2: {  	[smem:$0x3F8E] =	sst lr;
	_ =	strace $0xD0000000  }
0x3: {  	_ = 	snop  }
0x4: {  	_ = 	snop  }
0x5: {  	_ = 	snop  }
0x6: {  	_ = 	snop  }
0x7: {  	_ = 	snop  }
__scs_overlays_trampoline_lowered:
0x8: {  	[smem:$0x3F9D] =	sst s0  }
0x9: {  	[smem:$0x3F9E] =	sst s1  }
0xa: {  	[smem:$0x3F9F] =	sst s2  }
0xb: {  	[smem:$0x3FA0] =	sst s3  }
0xc: {  	[smem:$0x3FA1] =	sst s4  }
0xd: {  	[smem:$0x3FA2] =	sst s5  }
0xe: {  	[smem:$0x3FA3] =	sst s6  }
0xf: {  	[smem:$0x3FA4] =	sst s7  }
0x10: {  	[smem:$0x3FA5] =	sst s8  }
0x11: {  	[smem:$0x3FA6] =	sst s9;
	s0 =	simm.s32 @!p0 $0x0  }
0x12: {  	s1 =	sld [smem:$0x3F8C];
	s0 =	simm.s32 @p0 $0x1  }
0x13: {  	[smem:$0x3FA7] =	sst s0;
	s0 =	simm.s32 @!p1 $0x0  }
0x14: {  	s2 =	sld [smem:$0x3F8B];
	s0 =	simm.s32 @p1 $0x1  }
0x15: {  	[smem:$0x3FA8] =	sst s0;
	s0 =	simm.s32 @!p2 $0x0  }
0x16: {  	s3 =	sld [smem:$0x3FDB];
	s0 =	simm.s32 @p2 $0x1  }
0x17: {  	s4 =	simm.s32 $0x1BF5;
	[smem:$0x3FAA] =	sst s0  }
0x18: {  	s0 =	sld [smem:$0x3F8D];
	_ =	swait.ge [sflag:s4], $0x0  }
0x19: {  	s7 =	sld [smem:$0x3F8E]  }
0x1a: {  	s8 =	sadd.s32 $0xFFFFE003, lr  }
0x1b: {  	s9 =	sadd.s32 $0xFFFFFEF7, lr;
	s5 =	simm.s32 $0xFFFFFFFF;
	p2 =	slt.u32 s8, $0xFFFFF086  }
0x1c: {  	p1 =	slt.u32 s9, $0xF7A;
	s5 =	simm.s32 @!p2 $0x0  }
0x1d: {  	s5 =	simm.s32 @p1 $0x1;
	p0 =	seq.s32 s7, s2  }
0x1e: {  	s7 =	smul.u32 @!p0 $0xF7A, s2;
	p2 =	seq.s32 @!p0 s5, $0x0  }
0x1f: {  	s9 =	smul.u32 $0xF7A, s1;
	s8 =	simm.s32 @!p0 $0x1BF5;
	p2 =	por !p2, p0  }
0x20: {  	[sflag:s8] =	ssyncset.s32 @!p0 $0xFFFFF086;
	s6 =	sadd.s32 @!p0 s3, s7;
	s7 =	simm.s32 @!p0 $0x108  }
0x21: {  	s3 =	sadd.s32 s3, s9;
	s6 =	sadd.s32 @!p0 $0x88, s6;
	s7 =	simm.s32 @p2 $0x1082  }
0x22: {  	[simem:s7], [sflag:s8] =	dma.local @!p0 [hbm:s6], $0xF7A  }
0x23: {  	s9 =	sor.u32 $0xD0000000, s2;
	s6 =	simm.s32 $0x108;
	_ =	swait.ge @!p0 [sflag:s8], $0x0  }
0x24: {  	s3 =	sadd.s32 $0x88, s3;
	s6 =	simm.s32 @!p1 $0x1082;
	[sflag:s4] =	ssyncset.s32 $0xFFFFF086  }
0x25: {  	[simem:s6], [sflag:s4] =	dma.local [hbm:s3], $0xF7A  }
0x26: {  	[smem:$0x3F8E] =	sst s1;
	(tag) =	ssettag s2;
	_ =	strace s9  }
0x27: {  	s1 =	sld [smem:$0x3F9E]  }
0x28: {  	s2 =	sld [smem:$0x3F9F]  }
0x29: {  	s4 =	sld [smem:$0x3FA1]  }
0x2a: {  	p0 =	seq.s32 s5, $0x0;
	s5 =	sld [smem:$0x3FA2]  }
0x2b: {  	s6 =	sld [smem:$0x3FA3]  }
0x2c: {  	s7 =	sld [smem:$0x3FA4]  }
0x2d: {  	s3 =	simm.s32 $0x108;
	s8 =	sld [smem:$0x3FA5]  }
0x2e: {  	s3 =	simm.s32 @!p0 $0x1082;
	s9 =	sld [smem:$0x3FA6]  }
0x2f: {  	lr =	sadd.s32 s0, s3;
	s0 =	sld [smem:$0x3F9D]  }
0x30: {  	s3 =	sld [smem:$0x3FA0]  }
0x31: {  	[smem:$0x3FA9] =	sst s10  }
0x32: {  	s10 =	sld [smem:$0x3FA7];
	_ =	sdelay $0x3  }
0x33: {  	p0 =	seq.s32 s10, $0x1;
	s10 =	sld [smem:$0x3FA9];
	_ =	sdelay $0x3  }
0x34: {  	[smem:$0x3FA9] =	sst s10  }
0x35: {  	s10 =	sld [smem:$0x3FA8];
	_ =	sdelay $0x3  }
0x36: {  	p1 =	seq.s32 s10, $0x1;
	s10 =	sld [smem:$0x3FA9];
	_ =	sdelay $0x3  }
0x37: {  	[smem:$0x3FA9] =	sst s10  }
0x38: {  	s10 =	sld [smem:$0x3FAA]  }
0x39: {  	_ = 	snop;
	(pc) =	sbr.ind lr, $3  }
0x3a: {  	_ = 	snop  }
0x3b: {  	_ = 	snop  }
0x3c: {  	p2 =	seq.s32 s10, $0x1;
	s10 =	sld [smem:$0x3FA9]  }
0x3d: {  	_ =	shalt  }
0x3e: {  	_ =	shalt  }
0x3f: {  	_ =	shalt  }
0x40: {  	_ =	shalt  }
0x41: {  	_ =	shalt  }
0x42: {  	_ =	shalt  }
0x43: {  	_ =	shalt  }
0x44: {  	_ =	shalt  }
0x45: {  	_ =	shalt  }
0x46: {  	_ =	shalt  }
0x47: {  	_ =	shalt  }
0x48: {  	_ =	shalt  }
0x49: {  	_ =	shalt  }
0x4a: {  	_ =	shalt  }
0x4b: {  	_ =	shalt  }
0x4c: {  	_ =	shalt  }
0x4d: {  	_ =	shalt  }
0x4e: {  	_ =	shalt  }
0x4f: {  	_ =	shalt  }
0x50: {  	_ =	shalt  }
0x51: {  	_ =	shalt  }
0x52: {  	_ =	shalt  }
0x53: {  	_ =	shalt  }
0x54: {  	_ =	shalt  }
0x55: {  	_ =	shalt  }
0x56: {  	_ =	shalt  }
0x57: {  	_ =	shalt  }
0x58: {  	_ =	shalt  }
0x59: {  	_ =	shalt  }
0x5a: {  	_ =	shalt  }
0x5b: {  	_ =	shalt  }
0x5c: {  	_ =	shalt  }
0x5d: {  	_ =	shalt  }
0x5e: {  	_ =	shalt  }
0x5f: {  	_ =	shalt  }
0x60: {  	_ =	shalt  }
0x61: {  	_ =	shalt  }
0x62: {  	_ =	shalt  }
0x63: {  	_ =	shalt  }
0x64: {  	_ =	shalt  }
0x65: {  	_ =	shalt  }
0x66: {  	_ =	shalt  }
0x67: {  	_ =	shalt  }
0x68: {  	_ =	shalt  }
0x69: {  	_ =	shalt  }
0x6a: {  	_ =	shalt  }
0x6b: {  	_ =	shalt  }
0x6c: {  	_ =	shalt  }
0x6d: {  	_ =	shalt  }
0x6e: {  	_ =	shalt  }
0x6f: {  	_ =	shalt  }
0x70: {  	_ =	shalt  }
0x71: {  	_ =	shalt  }
0x72: {  	_ =	shalt  }
0x73: {  	_ =	shalt  }
0x74: {  	_ =	shalt  }
0x75: {  	_ =	shalt  }
0x76: {  	_ =	shalt  }
0x77: {  	_ =	shalt  }
0x78: {  	_ =	shalt  }
0x79: {  	_ =	shalt  }
0x7a: {  	_ =	shalt  }
0x7b: {  	_ =	shalt  }
0x7c: {  	_ =	shalt  }
0x7d: {  	_ =	shalt  }
0x7e: {  	_ =	shalt  }
0x7f: {  	_ =	shalt  }
0x80: {  	_ =	shalt  }
0x81: {  	_ =	shalt  }
0x82: {  	_ =	shalt  }
0x83: {  	_ =	shalt  }
0x84: {  	_ =	shalt  }
0x85: {  	_ =	shalt  }
0x86: {  	_ =	shalt  }
0x87: {  	_ =	shalt  }
.Lfunc_end0:
.L_simem_size_0:
called_computation_lowered:
.L_overlay_start_0:
0x88: {  	s2 =	sld [smem:$0x3FD9]  }
0x89: {  	s3 =	sld [smem:$0x3FFE];
	_ =	sdelay $0x1  }
0x8a: {  	s1 =	srdreg.scid  }
0x8b: {  	s0 =	sand.u32 $0x1, s1  }
0x8c: {  	s17 =	sshll.u32 s0, $0xA;
	s2 =	sadd.s32 s3, s2  }
0x8d: {  	s2 =	sadd.s32 s2, s17  }
0x8e: {  	[smem:$0x3FB5] =	sst s2  }
0x8f: {  	_ = 	snop  }
0x90: {  	s2 =	sld [smem:$0x3FD0];
	(tm) =	ssettm $0x1  }
0x91: {  	s18 =	sld [smem:$0x3FFB];
	_ =	sdelay $0x3  }
0x92: {  	_ =	strace s18  }
0x93: {  	s3 =	sld [smem:$0x3FFC];
	_ =	sdelay $0x3  }
0x94: {  	_ =	strace s3  }
0x95: {  	s3 =	sld [smem:$0x3FFD];
	_ =	sdelay $0x3  }
0x96: {  	_ =	strace s3  }
0x97: {  	_ =	strace $0x8FFFFFFF  }
0x98: {  	s19 =	sld [smem:$0x3FDB];
	_ =	sdelay $0x1  }
0x99: {  	s4 =	simm.s32 $_scs_section_size  }
0x9a: {  	s5 =	simm.s32 $_size__tile_overlayer_lowered;
	s6 =	simm.s32 $_tile_overlayer_lowered  }
0x9b: {  	s22 =	simm.s32 $0x1BFF;
	s21 =	sshll.u32 s6, $0x1;
	s3 =	sadd.s32 s4, s19  }
0x9c: {  	s7 =	simm.s32 $0x0;
	s20 =	sshll.u32 s5, $0x1;
	s5 =	sadd.s32 s21, s3  }
0x9d: {  	[timem:s7], [sflag:s22] =	dma.local [hbm:s5], s20  }
0x9e: {  	_ =	swait.ge [sflag:s22], s20  }
0x9f: {  	s4 =	ssub.s32 $0x0, s20;
	[sflag:s22] =	ssyncset.done $0x0  }
0xa0: {  	[sflag:s22] =	ssyncadd.s32 s4;
	_ =	sdelay $0x1  }
0xa1: {  	s23 =	simm.s32 $0x1B8B  }
0xa2: {  	_ =	swait.ge [sflag:s23], $0x1  }
0xa3: {  	[sflag:s23] =	ssyncset.done $0x0  }
0xa4: {  	s25 =	simm.s32 $0x1B8E;
	s24 =	sld [smem:$0x3FFE];
	[sflag:s23] =	ssyncadd.s32 $0xFFFFFFFF  }
0xa5: {  	s26 =	simm.s32 $execute0_lowered;
	[smem:$0x3FD2] =	sst s25  }
0xa6: {  	s5 =	sshll.u32 s26, $0x1;
	_ =	strace $0x80000046;
	[dreg:$0x1] =	wrdreg $0xFFFFFFFF  }
0xa7: {  	s28 =	simm.s32 $_size_execute0_lowered;
	s3 =	sadd.s32 s3, s5;
	[dreg:$0x0] =	wrdreg $0x0  }
0xa8: {  	s5 =	sshll.u32 s28, $0x1;
	[dreg:$0x2] =	wrdreg s3  }
0xa9: {  	[dreg:$0x3] =	wrdreg s5  }
0xaa: {  	[dreg:$0x4] =	wrdreg $0xC0  }
0xab: {  	_ =	task [dreg:s7], $0x5FFFF  }
0xac: {  	[dreg:$0x1] =	wrdreg $0xFFFFFFFF  }
0xad: {  	[dreg:$0x0] =	wrdreg $0x60  }
0xae: {  	[dreg:$0x2] =	wrdreg s2  }
0xaf: {  	[dreg:$0x3] =	wrdreg s24  }
0xb0: {  	[dreg:$0x4] =	wrdreg $0x170000  }
0xb1: {  	[dreg:$0x5] =	wrdreg $0x9  }
0xb2: {  	_ =	task.clear_ibuf [dreg:s7], $0x6FFFF;
	_ =	strace $0x90000046  }
0xb3: {  	s29 =	simm.s32 $0x9;
	_ =	strace $0x80000048  }
0xb4: {  	_ =	swait.ge [sflag:s29], $0x1  }
0xb5: {  	[sflag:s29] =	ssyncadd.s32 $0xFFFFFFFF  }
0xb6: {  	_ =	strace $0x90000048  }
0xb7: {  	_ =	sfence  }
0xb8: {  	s30 =	sld [smem:$0x0];
	_ =	sdelay $0x2  }
0xb9: {  	s31 =	sshll.u32 s1, $0xD;
	s1 =	sshrl.u32 s1, $0x2  }
0xba: {  	s3 =	sand.u32 $0x4000, s31;
	s1 =	sadd.s32 s1, s30  }
0xbb: {  	s0 =	sor.u32 s3, s0;
	s1 =	sshll.u32 s1, $0x11  }
0xbc: {  	s0 =	sor.u32 s1, s0  }
0xbd: {  	s0 =	sadd.s32 $0x8F2B, s0  }
0xbe: {  	[sflag:s0] =	ssyncadd.remote.s32 $0x1  }
0xbf: {  	_ =	sfence.sel $0xFFFF  }
0xc0: {  	[dreg:$0x0] =	wrdreg $0xFFFFFFFF;
	(pc) =	sbr.abs _section_cstart, $3  }
0xc1: {  	[dreg:$0x1] =	wrdreg $0xFFFFFFFF  }
0xc2: {  	_ =	task.clear_ibuf [dreg:s7], $0x2FFFF;
	_ =	strace $0x9FFFFFFF  }
0xc3: {  	(tm) =	ssettm $0x7FFFFFFF  }
tec
execute0_lowered:
.L_overlay_start_1:
0x0: {  	(tag) =	ssettag $0x1  }
0x1: {  	s1 =	rddreg [dreg:$0x0]  }
0x2: {  	s2 =	srdreg.scid;
	s8 =	rddreg [dreg:$0x1]  }
0x3: {  	s0 =	stileid.u32;
	s3 =	rddreg [dreg:$0x2]  }
0x4: {  	s4 =	simm.s32 $0x0;
	s15 =	simm.s32 $0x16800;
	s18 =	simm.s32 $0x80  }
0x5: {  	s19 =	simm.s32 $0x1;
	s20 =	simm.s32 $0x2800;
	s21 =	simm.s32 $0x2  }
0x6: {  	s22 =	simm.s32 $0x0;
	s7 =	sand.u32 $0x1, s2;
	s2 =	rddreg [dreg:$0x3]  }
0x7: {  	s31 =	sshll.u32 s0, $0x1;
	[smem:$0x7FF] =	sst s4;
	s11 =	smul.u32 $0x2780, s0  }
0x8: {  	s6 =	sadd.s32 $0x38000, s8;
	s9 =	sor.u32 s7, s31;
	s13 =	smul.u32 $0x27800, s7  }
0x9: {  	s16 =	sshll.u32 s0, $0x6;
	_ =	strace $0x80000047;
	s5 =	smul.u32 $0x280, s9  }
0xa: {  	s7 =	ssub.s32 $0x2, s7;
	s16 =	sor.u32 $0x1C03, s16;
	s10 =	smul.u32 $0x2800, s9  }
0xb: {  	s9 =	smul.u32 $0xFFFFFFD8, s9;
	s14 =	sshrl.u32 s7, $0x1;
	s17 =	sadd.s32 s11, s3  }
0xc: {  	s13 =	sadd.s32 s11, s13;
	s14 =	ssub.s32 s7, s14;
	s17 =	sshrl.u32 s17, $0x3  }
0xd: {  	s12 =	sadd.s32 s5, s8;
	s5 =	sadd.s32 $0x37A00, s8;
	s13 =	sshrl.u32 s13, $0x3  }
0xe: {  	s10 =	sadd.s32 s10, s8;
	p0 =	slt.s32 s9, $0xFFFFFB46;
	s13 =	sadd.s32 s13, s8  }
0xf: {  	s9 =	simm.s32 @!p0 $0xFFFFFB46;
	s8 =	sadd.s32 $0x2DA00, s12;
	s10 =	sadd.s32 $0x38200, s10  }
0x10: {  	s7 =	sadd.s32 $0x4E2, s9;
	s9 =	sadd.s32 $0x32A00, s12;
	s11 =	sadd.s32 $0x88200, s13  }
0x11: {  	s12 =	smax.u32 s14, $0x1;
	s13 =	simm.s32 $0x3;
	s14 =	simm.s32 $0x1400  }
.LBB2_1:
0x12: {  	[tilespmem:s4], [sflag:$0x3] =	stream.linear.gather [hbm4b:s8+s4], $0x1400, $0x38;
	[tilespmem:$0x19780] =	vst v63  }
0x13: {  	_ =	swait.ge [sflag:s13], $0x1400  }
0x14: {  	[sflag:s13] =	ssyncset.done $0x0  }
0x15: {  	[sflag:s13] =	ssyncadd.s32 $0xFFFFEC00  }
0x16: {  	[tilespmem:s14], [sflag:$0x3] =	stream.linear.gather [hbm4b:s9+s4], $0x1400, $0x38;
	[tilespmem:$0x19780] =	vst v63  }
0x17: {  	_ =	swait.ge [sflag:s13], $0x1400  }
0x18: {  	[sflag:s13] =	ssyncset.done $0x0  }
0x19: {  	[sflag:s13] =	ssyncadd.s32 $0xFFFFEC00  }
0x1a: {  	[tilespmem:s15], [sflag:$0x3] =	stream.linear.gather [hbm4b:s6+s4], $0x800, $0x38;
	[tilespmem:$0x19780] =	vst v63  }
0x1b: {  	_ =	swait.ge [sflag:s13], $0x800  }
0x1c: {  	[sflag:s13] =	ssyncset.done $0x0  }
0x1d: {  	[sflag:s13] =	ssyncadd.s32 $0xFFFFF800  }
0x1e: {  	[spmem:s17], [sflag:s16] =	dma.local [hbm:s5], $0x4F0  }
0x1f: {  	_ =	swait.ge [sflag:s13], $0x4F0  }
0x20: {  	[sflag:s13] =	ssyncset.done $0x0  }
0x21: {  	[sflag:s13] =	ssyncadd.s32 $0xFFFFFB10  }
0x22: {  	s23 =	simm.s32 $0x2800;
	s24 =	simm.s32 $0x0;
	[bflag:$0x0] =	sbarrier.arrive $0xFFFF  }
.LBB2_2:
0x23: {  	p0 =	sne.s32 s24, $0x4E00  }
.Ltmp0:
0x24: {  	_ = 	snop;
	(pc) =	sbr.rel @p0 .LBB2_2-.Ltmp0, $4  }
0x25: {  	_ = 	snop  }
0x26: {  	s25 =	sshra.s32 s24, $0x2  }
0x27: {  	[tilespmem:s23], [sflag:$0x1] =	stream.indirect.gather [hbm4b:s1+s18], $0x10, s25, s18, $0xb8;
	[tilespmem:$0x19780] =	vst v63  }
0x28: {  	s24 =	sadd.s32 $0x200, s24;
	s23 =	sadd.s32 $0x800, s23  }
0x29: {  	p0 =	sgt.u32 s7, $0x1  }
.Ltmp1:
0x2a: {  	_ = 	snop;
	(pc) =	sbr.rel @!p0 .LBB2_5-.Ltmp1, $3  }
0x2b: {  	_ =	sdelay $0x1  }
0x2c: {  	s23 =	simm.s32 $0x1400;
	s24 =	simm.s32 $0x1  }
0x2d: {  	[spmem:s3] =	stream.indirect.scatter.add.f32 [tilespmem:s15], [sflag:$0x2], $0x10, s23, s18, $0xb8;
	[tilespmem:$0x19780] =	vst v63  }
.LBB2_4:
0x2e: {  	s24 =	sadd.s32 $0x1, s24  }
0x2f: {  	p0 =	slt.u32 s24, s7  }
.Ltmp2:
0x30: {  	_ = 	snop;
	(pc) =	sbr.rel @p0 .LBB2_4-.Ltmp2, $3  }
0x31: {  	_ = 	snop  }
0x32: {  	s23 =	sadd.s32 $0x80, s23;
	_ =	sdelay $0x1  }
0x33: {  	[spmem:s3] =	stream.indirect.scatter.add.f32 [tilespmem:s15], [sflag:$0x2], $0x10, s23, s18, $0xb8;
	[tilespmem:$0x19780] =	vst v63  }
.LBB2_5:
0x34: {  	_ =	swait.ge [sflag:s19], $0x800  }
0x35: {  	s23 =	simm.s32 $0x27;
	[sflag:s19] =	ssyncset.done $0x0  }
.LBB2_6:
0x36: {  	p0 =	sne.s32 s23, $0x1;
	s23 =	sadd.s32 $0xFFFFFFFF, s23;
	[sflag:s19] =	ssyncadd.s32 $0xFFFFF800  }
.Ltmp3:
0x37: {  	(pc) =	sbr.rel @p0 .LBB2_6-.Ltmp3, $3  }
0x38: {  	_ =	sdelay $0x1  }
0x39: {  	_ =	swait.ge [sflag:s19], $0x800  }
0x3a: {  	[sflag:s19] =	ssyncset.done $0x0  }
0x3b: {  	[sflag:s19] =	ssyncadd.s32 $0xFFFFF800;
	s23 =	simm.s32 $0x0;
	p0 =	sgt.u32 s7, $0x1  }
0x3c: {  	[hbm4b:s10+s23] =	stream.linear.scatter [tilespmem:s20], [sflag:$0x3], $0x14000, $0x38;
	[tilespmem:$0x19780] =	vst v63  }
.Ltmp4:
0x3d: {  	_ =	swait.ge [sflag:s13], $0x14000;
	(pc) =	sbr.rel @!p0 .LBB2_9-.Ltmp4, $4  }
0x3e: {  	[sflag:s13] =	ssyncset.done $0x0  }
0x3f: {  	[sflag:s13] =	ssyncadd.s32 $0xFFFEC000  }
0x40: {  	_ =	swait.ge [sflag:s21], $0x800  }
0x41: {  	s23 =	simm.s32 $0x1;
	[sflag:s21] =	ssyncset.done $0x0  }
.LBB2_8:
0x42: {  	s23 =	sadd.s32 $0x1, s23  }
0x43: {  	[sflag:s21] =	ssyncadd.s32 $0xFFFFF800;
	p0 =	slt.u32 s23, s7  }
.Ltmp5:
0x44: {  	(pc) =	sbr.rel @p0 .LBB2_8-.Ltmp5, $3  }
0x45: {  	_ =	sdelay $0x1  }
0x46: {  	_ =	swait.ge [sflag:s21], $0x800  }
0x47: {  	[sflag:s21] =	ssyncset.done $0x0  }
.LBB2_9:
0x48: {  	s22 =	sadd.s32 $0x1, s22  }
0x49: {  	[sflag:s21] =	ssyncadd.s32 $0xFFFFF800;
	p0 =	sne.s32 s22, s12  }
.Ltmp6:
0x4a: {  	[bflag:$0x0] =	sbarrier.arrive $0xFFFF;
	(pc) =	sbr.rel @p0 .LBB2_1-.Ltmp6, $4  }
0x4b: {  	[hbm:s11], [sflag:s16] =	dma.local [spmem:s17], $0x4F0  }
0x4c: {  	_ =	swait.ge [sflag:s13], $0x4F0  }
0x4d: {  	[sflag:s13] =	ssyncset.done $0x0  }
0x4e: {  	[sflag:s13] =	ssyncadd.s32 $0xFFFFFB10  }
0x4f: {  	_ =	sfence.sel $0x180000  }
0x50: {  	[bflag:$0x0] =	sbarrier.arrive $0xFFFF  }
0x51: {  	p0 =	sne.s32 s0, $0x0;
	_ =	strace $0x90000047  }
0x52: {  	s0 =	sadd.s32 @!p0 $0x100000, s2;
	[bflag:$0x2] =	sbarrier.arrive $0xFFFF  }
0x53: {  	[sflag:s0] =	ssyncadd.tile.s32 @!p0 $0x1;
	_ =	shalt  }
.Lfunc_end2:
_tile_overlayer_lowered:
.L_overlay_start_2:
0x54: {  	(tag) =	ssettag $0x2  }
0x55: {  	s0 =	rddreg [dreg:$0x0];
	s2 =	stileid.u32  }
0x56: {  	s1 =	rddreg [dreg:$0x1];
	p0 =	sne.s32 s2, $0x0  }
0x57: {  	s3 =	rddreg [dreg:$0x2];
	[bflag:$0x3] =	sbarrier.arrive $0xFFFF;
	s2 =	simm.s32 @!p0 $0x1C03  }
0x58: {  	[timem:s3], [sflag:s2] =	dma.local @!p0 [hbm:s0], s1  }
0x59: {  	s0 =	simm.s32 @!p0 $0x3  }
0x5a: {  	_ =	swait.ge @!p0 [sflag:s0], s1  }
0x5b: {  	s1 =	ssub.s32 @!p0 $0x0, s1;
	[sflag:s0] =	ssyncset.done @!p0 $0x0  }
0x5c: {  	[sflag:s0] =	ssyncadd.s32 @!p0 s1  }
0x5d: {  	[bflag:$0x3] =	sbarrier.arrive $0xFFFF  }
0x5e: {  	_ =	shalt  }

// kernel: kernel.14.cloned.1.call-start
scs
__scs_entry_jumppad:
0x0: {  	(pc) =	sbr.rel $0x88, $3  }
0x1: {  	(tag) =	ssettag $0x0;
	lr =	simm.s32 $0x1  }
0x2: {  	[smem:$0x3F8E] =	sst lr;
	_ =	strace $0xD0000000  }
0x3: {  	_ = 	snop  }
0x4: {  	_ = 	snop  }
0x5: {  	_ = 	snop  }
0x6: {  	_ = 	snop  }
0x7: {  	_ = 	snop  }
__scs_overlays_trampoline_lowered:
0x8: {  	[smem:$0x3F9D] =	sst s0  }
0x9: {  	[smem:$0x3F9E] =	sst s1  }
0xa: {  	[smem:$0x3F9F] =	sst s2  }
0xb: {  	[smem:$0x3FA0] =	sst s3  }
0xc: {  	[smem:$0x3FA1] =	sst s4  }
0xd: {  	[smem:$0x3FA2] =	sst s5  }
0xe: {  	[smem:$0x3FA3] =	sst s6  }
0xf: {  	[smem:$0x3FA4] =	sst s7  }
0x10: {  	[smem:$0x3FA5] =	sst s8  }
0x11: {  	[smem:$0x3FA6] =	sst s9;
	s0 =	simm.s32 @!p0 $0x0  }
0x12: {  	s1 =	sld [smem:$0x3F8C];
	s0 =	simm.s32 @p0 $0x1  }
0x13: {  	[smem:$0x3FA7] =	sst s0;
	s0 =	simm.s32 @!p1 $0x0  }
0x14: {  	s2 =	sld [smem:$0x3F8B];
	s0 =	simm.s32 @p1 $0x1  }
0x15: {  	[smem:$0x3FA8] =	sst s0;
	s0 =	simm.s32 @!p2 $0x0  }
0x16: {  	s3 =	sld [smem:$0x3FDB];
	s0 =	simm.s32 @p2 $0x1  }
0x17: {  	s4 =	simm.s32 $0x1BF5;
	[smem:$0x3FAA] =	sst s0  }
0x18: {  	s0 =	sld [smem:$0x3F8D];
	_ =	swait.ge [sflag:s4], $0x0  }
0x19: {  	s7 =	sld [smem:$0x3F8E]  }
0x1a: {  	s8 =	sadd.s32 $0xFFFFE003, lr  }
0x1b: {  	s9 =	sadd.s32 $0xFFFFFEF7, lr;
	s5 =	simm.s32 $0xFFFFFFFF;
	p2 =	slt.u32 s8, $0xFFFFF086  }
0x1c: {  	p1 =	slt.u32 s9, $0xF7A;
	s5 =	simm.s32 @!p2 $0x0  }
0x1d: {  	s5 =	simm.s32 @p1 $0x1;
	p0 =	seq.s32 s7, s2  }
0x1e: {  	s7 =	smul.u32 @!p0 $0xF7A, s2;
	p2 =	seq.s32 @!p0 s5, $0x0  }
0x1f: {  	s9 =	smul.u32 $0xF7A, s1;
	s8 =	simm.s32 @!p0 $0x1BF5;
	p2 =	por !p2, p0  }
0x20: {  	[sflag:s8] =	ssyncset.s32 @!p0 $0xFFFFF086;
	s6 =	sadd.s32 @!p0 s3, s7;
	s7 =	simm.s32 @!p0 $0x108  }
0x21: {  	s3 =	sadd.s32 s3, s9;
	s6 =	sadd.s32 @!p0 $0x88, s6;
	s7 =	simm.s32 @p2 $0x1082  }
0x22: {  	[simem:s7], [sflag:s8] =	dma.local @!p0 [hbm:s6], $0xF7A  }
0x23: {  	s9 =	sor.u32 $0xD0000000, s2;
	s6 =	simm.s32 $0x108;
	_ =	swait.ge @!p0 [sflag:s8], $0x0  }
0x24: {  	s3 =	sadd.s32 $0x88, s3;
	s6 =	simm.s32 @!p1 $0x1082;
	[sflag:s4] =	ssyncset.s32 $0xFFFFF086  }
0x25: {  	[simem:s6], [sflag:s4] =	dma.local [hbm:s3], $0xF7A  }
0x26: {  	[smem:$0x3F8E] =	sst s1;
	(tag) =	ssettag s2;
	_ =	strace s9  }
0x27: {  	s1 =	sld [smem:$0x3F9E]  }
0x28: {  	s2 =	sld [smem:$0x3F9F]  }
0x29: {  	s4 =	sld [smem:$0x3FA1]  }
0x2a: {  	p0 =	seq.s32 s5, $0x0;
	s5 =	sld [smem:$0x3FA2]  }
0x2b: {  	s6 =	sld [smem:$0x3FA3]  }
0x2c: {  	s7 =	sld [smem:$0x3FA4]  }
0x2d: {  	s3 =	simm.s32 $0x108;
	s8 =	sld [smem:$0x3FA5]  }
0x2e: {  	s3 =	simm.s32 @!p0 $0x1082;
	s9 =	sld [smem:$0x3FA6]  }
0x2f: {  	lr =	sadd.s32 s0, s3;
	s0 =	sld [smem:$0x3F9D]  }
0x30: {  	s3 =	sld [smem:$0x3FA0]  }
0x31: {  	[smem:$0x3FA9] =	sst s10  }
0x32: {  	s10 =	sld [smem:$0x3FA7];
	_ =	sdelay $0x3  }
0x33: {  	p0 =	seq.s32 s10, $0x1;
	s10 =	sld [smem:$0x3FA9];
	_ =	sdelay $0x3  }
0x34: {  	[smem:$0x3FA9] =	sst s10  }
0x35: {  	s10 =	sld [smem:$0x3FA8];
	_ =	sdelay $0x3  }
0x36: {  	p1 =	seq.s32 s10, $0x1;
	s10 =	sld [smem:$0x3FA9];
	_ =	sdelay $0x3  }
0x37: {  	[smem:$0x3FA9] =	sst s10  }
0x38: {  	s10 =	sld [smem:$0x3FAA]  }
0x39: {  	_ = 	snop;
	(pc) =	sbr.ind lr, $3  }
0x3a: {  	_ = 	snop  }
0x3b: {  	_ = 	snop  }
0x3c: {  	p2 =	seq.s32 s10, $0x1;
	s10 =	sld [smem:$0x3FA9]  }
0x3d: {  	_ =	shalt  }
0x3e: {  	_ =	shalt  }
0x3f: {  	_ =	shalt  }
0x40: {  	_ =	shalt  }
0x41: {  	_ =	shalt  }
0x42: {  	_ =	shalt  }
0x43: {  	_ =	shalt  }
0x44: {  	_ =	shalt  }
0x45: {  	_ =	shalt  }
0x46: {  	_ =	shalt  }
0x47: {  	_ =	shalt  }
0x48: {  	_ =	shalt  }
0x49: {  	_ =	shalt  }
0x4a: {  	_ =	shalt  }
0x4b: {  	_ =	shalt  }
0x4c: {  	_ =	shalt  }
0x4d: {  	_ =	shalt  }
0x4e: {  	_ =	shalt  }
0x4f: {  	_ =	shalt  }
0x50: {  	_ =	shalt  }
0x51: {  	_ =	shalt  }
0x52: {  	_ =	shalt  }
0x53: {  	_ =	shalt  }
0x54: {  	_ =	shalt  }
0x55: {  	_ =	shalt  }
0x56: {  	_ =	shalt  }
0x57: {  	_ =	shalt  }
0x58: {  	_ =	shalt  }
0x59: {  	_ =	shalt  }
0x5a: {  	_ =	shalt  }
0x5b: {  	_ =	shalt  }
0x5c: {  	_ =	shalt  }
0x5d: {  	_ =	shalt  }
0x5e: {  	_ =	shalt  }
0x5f: {  	_ =	shalt  }
0x60: {  	_ =	shalt  }
0x61: {  	_ =	shalt  }
0x62: {  	_ =	shalt  }
0x63: {  	_ =	shalt  }
0x64: {  	_ =	shalt  }
0x65: {  	_ =	shalt  }
0x66: {  	_ =	shalt  }
0x67: {  	_ =	shalt  }
0x68: {  	_ =	shalt  }
0x69: {  	_ =	shalt  }
0x6a: {  	_ =	shalt  }
0x6b: {  	_ =	shalt  }
0x6c: {  	_ =	shalt  }
0x6d: {  	_ =	shalt  }
0x6e: {  	_ =	shalt  }
0x6f: {  	_ =	shalt  }
0x70: {  	_ =	shalt  }
0x71: {  	_ =	shalt  }
0x72: {  	_ =	shalt  }
0x73: {  	_ =	shalt  }
0x74: {  	_ =	shalt  }
0x75: {  	_ =	shalt  }
0x76: {  	_ =	shalt  }
0x77: {  	_ =	shalt  }
0x78: {  	_ =	shalt  }
0x79: {  	_ =	shalt  }
0x7a: {  	_ =	shalt  }
0x7b: {  	_ =	shalt  }
0x7c: {  	_ =	shalt  }
0x7d: {  	_ =	shalt  }
0x7e: {  	_ =	shalt  }
0x7f: {  	_ =	shalt  }
0x80: {  	_ =	shalt  }
0x81: {  	_ =	shalt  }
0x82: {  	_ =	shalt  }
0x83: {  	_ =	shalt  }
0x84: {  	_ =	shalt  }
0x85: {  	_ =	shalt  }
0x86: {  	_ =	shalt  }
0x87: {  	_ =	shalt  }
.Lfunc_end0:
.L_simem_size_0:
called_computation.1_lowered:
.L_overlay_start_0:
0x88: {  	s2 =	sld [smem:$0x3FD9]  }
0x89: {  	s3 =	sld [smem:$0x3FFE];
	_ =	sdelay $0x1  }
0x8a: {  	s1 =	srdreg.scid  }
0x8b: {  	s0 =	sand.u32 $0x1, s1  }
0x8c: {  	s17 =	sshll.u32 s0, $0xA;
	s2 =	sadd.s32 s3, s2  }
0x8d: {  	s2 =	sadd.s32 s2, s17  }
0x8e: {  	[smem:$0x3FB5] =	sst s2  }
0x8f: {  	_ = 	snop  }
0x90: {  	s2 =	sld [smem:$0x3FD0];
	(tm) =	ssettm $0x1  }
0x91: {  	s18 =	sld [smem:$0x3FFB];
	_ =	sdelay $0x3  }
0x92: {  	_ =	strace s18  }
0x93: {  	s3 =	sld [smem:$0x3FFC];
	_ =	sdelay $0x3  }
0x94: {  	_ =	strace s3  }
0x95: {  	s3 =	sld [smem:$0x3FFD];
	_ =	sdelay $0x3  }
0x96: {  	_ =	strace s3  }
0x97: {  	_ =	strace $0x8FFFFFFF  }
0x98: {  	s19 =	sld [smem:$0x3FDB];
	_ =	sdelay $0x1  }
0x99: {  	s4 =	simm.s32 $_scs_section_size  }
0x9a: {  	s5 =	simm.s32 $_size__tile_overlayer_lowered;
	s6 =	simm.s32 $_tile_overlayer_lowered  }
0x9b: {  	s22 =	simm.s32 $0x1BFF;
	s21 =	sshll.u32 s6, $0x1;
	s3 =	sadd.s32 s4, s19  }
0x9c: {  	s7 =	simm.s32 $0x0;
	s20 =	sshll.u32 s5, $0x1;
	s5 =	sadd.s32 s21, s3  }
0x9d: {  	[timem:s7], [sflag:s22] =	dma.local [hbm:s5], s20  }
0x9e: {  	_ =	swait.ge [sflag:s22], s20  }
0x9f: {  	s4 =	ssub.s32 $0x0, s20;
	[sflag:s22] =	ssyncset.done $0x0  }
0xa0: {  	[sflag:s22] =	ssyncadd.s32 s4;
	_ =	sdelay $0x1  }
0xa1: {  	s23 =	simm.s32 $0x1B8B  }
0xa2: {  	_ =	swait.ge [sflag:s23], $0x1  }
0xa3: {  	[sflag:s23] =	ssyncset.done $0x0  }
0xa4: {  	s25 =	simm.s32 $0x1B8E;
	s24 =	sld [smem:$0x3FFE];
	[sflag:s23] =	ssyncadd.s32 $0xFFFFFFFF  }
0xa5: {  	s26 =	simm.s32 $execute0_lowered;
	[smem:$0x3FD2] =	sst s25  }
0xa6: {  	s5 =	sshll.u32 s26, $0x1;
	_ =	strace $0x80000049;
	[dreg:$0x1] =	wrdreg $0xFFFFFFFF  }
0xa7: {  	s28 =	simm.s32 $_size_execute0_lowered;
	s3 =	sadd.s32 s3, s5;
	[dreg:$0x0] =	wrdreg $0x0  }
0xa8: {  	s5 =	sshll.u32 s28, $0x1;
	[dreg:$0x2] =	wrdreg s3  }
0xa9: {  	[dreg:$0x3] =	wrdreg s5  }
0xaa: {  	[dreg:$0x4] =	wrdreg $0xC0  }
0xab: {  	_ =	task [dreg:s7], $0x5FFFF  }
0xac: {  	[dreg:$0x1] =	wrdreg $0xFFFFFFFF  }
0xad: {  	[dreg:$0x0] =	wrdreg $0x60  }
0xae: {  	[dreg:$0x2] =	wrdreg s24  }
0xaf: {  	[dreg:$0x3] =	wrdreg s2  }
0xb0: {  	[dreg:$0x4] =	wrdreg $0x154000  }
0xb1: {  	[dreg:$0x5] =	wrdreg $0x9  }
0xb2: {  	_ =	task.clear_ibuf [dreg:s7], $0x6FFFF;
	_ =	strace $0x90000049  }
0xb3: {  	s29 =	simm.s32 $0x9;
	_ =	strace $0x8000004B  }
0xb4: {  	_ =	swait.ge [sflag:s29], $0x1  }
0xb5: {  	[sflag:s29] =	ssyncadd.s32 $0xFFFFFFFF  }
0xb6: {  	_ =	strace $0x9000004B  }
0xb7: {  	_ =	sfence  }
0xb8: {  	s30 =	sld [smem:$0x0];
	_ =	sdelay $0x2  }
0xb9: {  	s31 =	sshll.u32 s1, $0xD;
	s1 =	sshrl.u32 s1, $0x2  }
0xba: {  	s3 =	sand.u32 $0x4000, s31;
	s1 =	sadd.s32 s1, s30  }
0xbb: {  	s0 =	sor.u32 s3, s0;
	s1 =	sshll.u32 s1, $0x11  }
0xbc: {  	s0 =	sor.u32 s1, s0  }
0xbd: {  	s0 =	sadd.s32 $0x8F2B, s0  }
0xbe: {  	[sflag:s0] =	ssyncadd.remote.s32 $0x1  }
0xbf: {  	_ =	sfence.sel $0xFFFF  }
0xc0: {  	[dreg:$0x0] =	wrdreg $0xFFFFFFFF;
	(pc) =	sbr.abs _section_cstart, $3  }
0xc1: {  	[dreg:$0x1] =	wrdreg $0xFFFFFFFF  }
0xc2: {  	_ =	task.clear_ibuf [dreg:s7], $0x2FFFF;
	_ =	strace $0x9FFFFFFF  }
0xc3: {  	(tm) =	ssettm $0x7FFFFFFF  }
tec
execute0_lowered:
.L_overlay_start_1:
0x0: {  	(tag) =	ssettag $0x1  }
0x1: {  	s1 =	srdreg.scid;
	s4 =	rddreg [dreg:$0x0]  }
0x2: {  	s0 =	stileid.u32;
	s8 =	rddreg [dreg:$0x1]  }
0x3: {  	s2 =	rddreg [dreg:$0x2];
	s3 =	simm.s32 $0x0;
	s10 =	smul.u32 $0x2780, s0  }
0x4: {  	s16 =	simm.s32 $0x1;
	s5 =	sand.u32 $0x1, s1;
	s13 =	smul.u32 $0x2800, s0  }
0x5: {  	s17 =	simm.s32 $0x0;
	s25 =	sshll.u32 s0, $0x1;
	s11 =	smul.u32 $0x27800, s5  }
0x6: {  	s1 =	rddreg [dreg:$0x3];
	s6 =	sor.u32 s5, s25;
	s15 =	smul.u32 $0x1400, s5  }
0x7: {  	[smem:$0x7FF] =	sst s3;
	s31 =	sshll.u32 s0, $0x6;
	s7 =	smul.u32 $0x1400, s6  }
0x8: {  	_ =	strace $0x8000004A;
	s12 =	ssub.s32 $0x2, s5;
	s9 =	smul.u32 $0x280, s6  }
0x9: {  	s6 =	smul.u32 $0xFFFFFFD8, s6;
	s14 =	sshrl.u32 s12, $0x1;
	s29 =	sadd.s32 s10, s2  }
0xa: {  	s12 =	ssub.s32 s12, s14;
	s26 =	sadd.s32 s10, s11;
	s28 =	sadd.s32 s15, s13  }
0xb: {  	s11 =	simm.s32 $0x2;
	s13 =	sor.u32 $0x1C02, s31;
	s14 =	sshrl.u32 s29, $0x3  }
0xc: {  	s15 =	simm.s32 $0x80;
	s7 =	smin.u32 s7, $0x25D00;
	s9 =	sadd.s32 s9, s4  }
0xd: {  	p0 =	slt.s32 s6, $0xFFFFFB46;
	s30 =	smax.u32 s28, $0x25D00;
	s7 =	sshll.u32 s7, $0x1  }
0xe: {  	s6 =	simm.s32 @!p0 $0xFFFFFB46;
	s10 =	sshll.u32 s30, $0x4;
	s7 =	sadd.s32 s7, s4  }
0xf: {  	s4 =	sadd.s32 $0x37A00, s4;
	s5 =	sadd.s32 $0x4E2, s6;
	s6 =	sadd.s32 $0x32A00, s9  }
0x10: {  	s9 =	sshrl.u32 s26, $0x3;
	s10 =	sadd.s32 $0xFFDA4400, s10;
	s7 =	sadd.s32 $0x38000, s7  }
0x11: {  	s8 =	sadd.s32 s8, s9;
	s9 =	smax.u32 s12, $0x1;
	s12 =	simm.s32 $0x1400  }
.LBB2_1:
0x12: {  	[tilespmem:s3], [sflag:$0x2] =	stream.linear.gather [hbm4b:s6+s3], $0x1400, $0x38;
	[tilespmem:$0x17B80] =	vst v63  }
0x13: {  	_ =	swait.ge [sflag:s11], $0x1400  }
0x14: {  	[sflag:s11] =	ssyncset.done $0x0  }
0x15: {  	[sflag:s11] =	ssyncadd.s32 $0xFFFFEC00  }
0x16: {  	[tilespmem:s12], [sflag:$0x2] =	stream.linear.gather [hbm4b:s7+s3], $0x14000, $0x38;
	[tilespmem:$0x17B80] =	vst v63  }
0x17: {  	_ =	swait.ge [sflag:s11], $0x14000  }
0x18: {  	[sflag:s11] =	ssyncset.done $0x0  }
0x19: {  	p0 =	sgt.u32 s5, $0x1;
	[sflag:s11] =	ssyncadd.s32 $0xFFFEC000  }
0x1a: {  	[spmem:s14], [sflag:s13] =	dma.local [hbm:s4], $0x4F0  }
.Ltmp0:
0x1b: {  	_ =	swait.ge [sflag:s11], $0x4F0;
	(pc) =	sbr.rel @!p0 .LBB2_3-.Ltmp0, $4  }
0x1c: {  	[sflag:s11] =	ssyncset.done $0x0  }
0x1d: {  	s18 =	simm.s32 $0x1;
	[sflag:s11] =	ssyncadd.s32 $0xFFFFFB10  }
0x1e: {  	s19 =	smov.u32 s10;
	s20 =	smov.u32 s3;
	[bflag:$0x0] =	sbarrier.arrive $0xFFFF  }
0x1f: {  	[spmem:s2] =	stream.indirect.scatter.add.f32 [tilespmem:s10], [sflag:$0x1], $0x10, s3, s15, $0xb8;
	[tilespmem:$0x17B80] =	vst v63  }
.LBB2_2:
0x20: {  	s18 =	sadd.s32 $0x1, s18  }
0x21: {  	s19 =	sadd.s32 $0x800, s19;
	s20 =	sadd.s32 $0x80, s20;
	p0 =	slt.u32 s18, s5  }
.Ltmp1:
0x22: {  	(pc) =	sbr.rel @p0 .LBB2_2-.Ltmp1, $2  }
0x23: {  	[spmem:s2] =	stream.indirect.scatter.add.f32 [tilespmem:s19], [sflag:$0x1], $0x10, s20, s15, $0xb8;
	[tilespmem:$0x17B80] =	vst v63  }
0x24: {  	_ =	sdelay $0x2  }
.LBB2_3:
0x25: {  	s18 =	sadd.s32 $0x1, s3  }
0x26: {  	p0 =	slt.u32 s18, s5  }
.Ltmp2:
0x27: {  	_ = 	snop;
	(pc) =	sbr.rel @!p0 .LBB2_5-.Ltmp2, $3  }
0x28: {  	_ =	sdelay $0x1  }
0x29: {  	_ =	swait.ge [sflag:s16], $0x800  }
0x2a: {  	[sflag:s16] =	ssyncset.done $0x0  }
.LBB2_4:
0x2b: {  	s18 =	sadd.s32 $0x1, s18  }
0x2c: {  	[sflag:s16] =	ssyncadd.s32 $0xFFFFF800;
	p0 =	slt.u32 s18, s5  }
.Ltmp3:
0x2d: {  	(pc) =	sbr.rel @p0 .LBB2_4-.Ltmp3, $3  }
0x2e: {  	_ =	sdelay $0x1  }
0x2f: {  	_ =	swait.ge [sflag:s16], $0x800  }
0x30: {  	[sflag:s16] =	ssyncset.done $0x0  }
.LBB2_5:
0x31: {  	s17 =	sadd.s32 $0x1, s17  }
0x32: {  	[sflag:s16] =	ssyncadd.s32 $0xFFFFF800;
	p0 =	sne.s32 s17, s9  }
.Ltmp4:
0x33: {  	[bflag:$0x0] =	sbarrier.arrive $0xFFFF;
	(pc) =	sbr.rel @p0 .LBB2_1-.Ltmp4, $4  }
0x34: {  	[hbm:s8], [sflag:s13] =	dma.local [spmem:s14], $0x4F0  }
0x35: {  	_ =	swait.ge [sflag:s11], $0x4F0  }
0x36: {  	[sflag:s11] =	ssyncset.done $0x0  }
0x37: {  	[sflag:s11] =	ssyncadd.s32 $0xFFFFFB10  }
0x38: {  	_ =	sfence.sel $0x180000  }
0x39: {  	[bflag:$0x0] =	sbarrier.arrive $0xFFFF  }
0x3a: {  	p0 =	sne.s32 s0, $0x0;
	_ =	strace $0x9000004A  }
0x3b: {  	s0 =	sadd.s32 @!p0 $0x100000, s1;
	[bflag:$0x2] =	sbarrier.arrive $0xFFFF  }
0x3c: {  	[sflag:s0] =	ssyncadd.tile.s32 @!p0 $0x1;
	_ =	shalt  }
.Lfunc_end2:
_tile_overlayer_lowered:
.L_overlay_start_2:
0x3d: {  	(tag) =	ssettag $0x2  }
0x3e: {  	s0 =	rddreg [dreg:$0x0];
	s2 =	stileid.u32  }
0x3f: {  	s1 =	rddreg [dreg:$0x1];
	p0 =	sne.s32 s2, $0x0  }
0x40: {  	s3 =	rddreg [dreg:$0x2];
	[bflag:$0x3] =	sbarrier.arrive $0xFFFF;
	s2 =	simm.s32 @!p0 $0x1C02  }
0x41: {  	[timem:s3], [sflag:s2] =	dma.local @!p0 [hbm:s0], s1  }
0x42: {  	s0 =	simm.s32 @!p0 $0x2  }
0x43: {  	_ =	swait.ge @!p0 [sflag:s0], s1  }
0x44: {  	s1 =	ssub.s32 @!p0 $0x0, s1;
	[sflag:s0] =	ssyncset.done @!p0 $0x0  }
0x45: {  	[sflag:s0] =	ssyncadd.s32 @!p0 s1  }
0x46: {  	[bflag:$0x3] =	sbarrier.arrive $0xFFFF  }
0x47: {  	_ =	shalt  }

// kernel: kernel.17.cloned.1.call-start
scs
__scs_entry_jumppad:
0x0: {  	(pc) =	sbr.rel $0x88, $3  }
0x1: {  	(tag) =	ssettag $0x0;
	lr =	simm.s32 $0x1  }
0x2: {  	[smem:$0x3F8E] =	sst lr;
	_ =	strace $0xD0000000  }
0x3: {  	_ = 	snop  }
0x4: {  	_ = 	snop  }
0x5: {  	_ = 	snop  }
0x6: {  	_ = 	snop  }
0x7: {  	_ = 	snop  }
__scs_overlays_trampoline_lowered:
0x8: {  	[smem:$0x3F9D] =	sst s0  }
0x9: {  	[smem:$0x3F9E] =	sst s1  }
0xa: {  	[smem:$0x3F9F] =	sst s2  }
0xb: {  	[smem:$0x3FA0] =	sst s3  }
0xc: {  	[smem:$0x3FA1] =	sst s4  }
0xd: {  	[smem:$0x3FA2] =	sst s5  }
0xe: {  	[smem:$0x3FA3] =	sst s6  }
0xf: {  	[smem:$0x3FA4] =	sst s7  }
0x10: {  	[smem:$0x3FA5] =	sst s8  }
0x11: {  	[smem:$0x3FA6] =	sst s9;
	s0 =	simm.s32 @!p0 $0x0  }
0x12: {  	s1 =	sld [smem:$0x3F8C];
	s0 =	simm.s32 @p0 $0x1  }
0x13: {  	[smem:$0x3FA7] =	sst s0;
	s0 =	simm.s32 @!p1 $0x0  }
0x14: {  	s2 =	sld [smem:$0x3F8B];
	s0 =	simm.s32 @p1 $0x1  }
0x15: {  	[smem:$0x3FA8] =	sst s0;
	s0 =	simm.s32 @!p2 $0x0  }
0x16: {  	s3 =	sld [smem:$0x3FDB];
	s0 =	simm.s32 @p2 $0x1  }
0x17: {  	s4 =	simm.s32 $0x1BF5;
	[smem:$0x3FAA] =	sst s0  }
0x18: {  	s0 =	sld [smem:$0x3F8D];
	_ =	swait.ge [sflag:s4], $0x0  }
0x19: {  	s7 =	sld [smem:$0x3F8E]  }
0x1a: {  	s8 =	sadd.s32 $0xFFFFE003, lr  }
0x1b: {  	s9 =	sadd.s32 $0xFFFFFEF7, lr;
	s5 =	simm.s32 $0xFFFFFFFF;
	p2 =	slt.u32 s8, $0xFFFFF086  }
0x1c: {  	p1 =	slt.u32 s9, $0xF7A;
	s5 =	simm.s32 @!p2 $0x0  }
0x1d: {  	s5 =	simm.s32 @p1 $0x1;
	p0 =	seq.s32 s7, s2  }
0x1e: {  	s7 =	smul.u32 @!p0 $0xF7A, s2;
	p2 =	seq.s32 @!p0 s5, $0x0  }
0x1f: {  	s9 =	smul.u32 $0xF7A, s1;
	s8 =	simm.s32 @!p0 $0x1BF5;
	p2 =	por !p2, p0  }
0x20: {  	[sflag:s8] =	ssyncset.s32 @!p0 $0xFFFFF086;
	s6 =	sadd.s32 @!p0 s3, s7;
	s7 =	simm.s32 @!p0 $0x108  }
0x21: {  	s3 =	sadd.s32 s3, s9;
	s6 =	sadd.s32 @!p0 $0x88, s6;
	s7 =	simm.s32 @p2 $0x1082  }
0x22: {  	[simem:s7], [sflag:s8] =	dma.local @!p0 [hbm:s6], $0xF7A  }
0x23: {  	s9 =	sor.u32 $0xD0000000, s2;
	s6 =	simm.s32 $0x108;
	_ =	swait.ge @!p0 [sflag:s8], $0x0  }
0x24: {  	s3 =	sadd.s32 $0x88, s3;
	s6 =	simm.s32 @!p1 $0x1082;
	[sflag:s4] =	ssyncset.s32 $0xFFFFF086  }
0x25: {  	[simem:s6], [sflag:s4] =	dma.local [hbm:s3], $0xF7A  }
0x26: {  	[smem:$0x3F8E] =	sst s1;
	(tag) =	ssettag s2;
	_ =	strace s9  }
0x27: {  	s1 =	sld [smem:$0x3F9E]  }
0x28: {  	s2 =	sld [smem:$0x3F9F]  }
0x29: {  	s4 =	sld [smem:$0x3FA1]  }
0x2a: {  	p0 =	seq.s32 s5, $0x0;
	s5 =	sld [smem:$0x3FA2]  }
0x2b: {  	s6 =	sld [smem:$0x3FA3]  }
0x2c: {  	s7 =	sld [smem:$0x3FA4]  }
0x2d: {  	s3 =	simm.s32 $0x108;
	s8 =	sld [smem:$0x3FA5]  }
0x2e: {  	s3 =	simm.s32 @!p0 $0x1082;
	s9 =	sld [smem:$0x3FA6]  }
0x2f: {  	lr =	sadd.s32 s0, s3;
	s0 =	sld [smem:$0x3F9D]  }
0x30: {  	s3 =	sld [smem:$0x3FA0]  }
0x31: {  	[smem:$0x3FA9] =	sst s10  }
0x32: {  	s10 =	sld [smem:$0x3FA7];
	_ =	sdelay $0x3  }
0x33: {  	p0 =	seq.s32 s10, $0x1;
	s10 =	sld [smem:$0x3FA9];
	_ =	sdelay $0x3  }
0x34: {  	[smem:$0x3FA9] =	sst s10  }
0x35: {  	s10 =	sld [smem:$0x3FA8];
	_ =	sdelay $0x3  }
0x36: {  	p1 =	seq.s32 s10, $0x1;
	s10 =	sld [smem:$0x3FA9];
	_ =	sdelay $0x3  }
0x37: {  	[smem:$0x3FA9] =	sst s10  }
0x38: {  	s10 =	sld [smem:$0x3FAA]  }
0x39: {  	_ = 	snop;
	(pc) =	sbr.ind lr, $3  }
0x3a: {  	_ = 	snop  }
0x3b: {  	_ = 	snop  }
0x3c: {  	p2 =	seq.s32 s10, $0x1;
	s10 =	sld [smem:$0x3FA9]  }
0x3d: {  	_ =	shalt  }
0x3e: {  	_ =	shalt  }
0x3f: {  	_ =	shalt  }
0x40: {  	_ =	shalt  }
0x41: {  	_ =	shalt  }
0x42: {  	_ =	shalt  }
0x43: {  	_ =	shalt  }
0x44: {  	_ =	shalt  }
0x45: {  	_ =	shalt  }
0x46: {  	_ =	shalt  }
0x47: {  	_ =	shalt  }
0x48: {  	_ =	shalt  }
0x49: {  	_ =	shalt  }
0x4a: {  	_ =	shalt  }
0x4b: {  	_ =	shalt  }
0x4c: {  	_ =	shalt  }
0x4d: {  	_ =	shalt  }
0x4e: {  	_ =	shalt  }
0x4f: {  	_ =	shalt  }
0x50: {  	_ =	shalt  }
0x51: {  	_ =	shalt  }
0x52: {  	_ =	shalt  }
0x53: {  	_ =	shalt  }
0x54: {  	_ =	shalt  }
0x55: {  	_ =	shalt  }
0x56: {  	_ =	shalt  }
0x57: {  	_ =	shalt  }
0x58: {  	_ =	shalt  }
0x59: {  	_ =	shalt  }
0x5a: {  	_ =	shalt  }
0x5b: {  	_ =	shalt  }
0x5c: {  	_ =	shalt  }
0x5d: {  	_ =	shalt  }
0x5e: {  	_ =	shalt  }
0x5f: {  	_ =	shalt  }
0x60: {  	_ =	shalt  }
0x61: {  	_ =	shalt  }
0x62: {  	_ =	shalt  }
0x63: {  	_ =	shalt  }
0x64: {  	_ =	shalt  }
0x65: {  	_ =	shalt  }
0x66: {  	_ =	shalt  }
0x67: {  	_ =	shalt  }
0x68: {  	_ =	shalt  }
0x69: {  	_ =	shalt  }
0x6a: {  	_ =	shalt  }
0x6b: {  	_ =	shalt  }
0x6c: {  	_ =	shalt  }
0x6d: {  	_ =	shalt  }
0x6e: {  	_ =	shalt  }
0x6f: {  	_ =	shalt  }
0x70: {  	_ =	shalt  }
0x71: {  	_ =	shalt  }
0x72: {  	_ =	shalt  }
0x73: {  	_ =	shalt  }
0x74: {  	_ =	shalt  }
0x75: {  	_ =	shalt  }
0x76: {  	_ =	shalt  }
0x77: {  	_ =	shalt  }
0x78: {  	_ =	shalt  }
0x79: {  	_ =	shalt  }
0x7a: {  	_ =	shalt  }
0x7b: {  	_ =	shalt  }
0x7c: {  	_ =	shalt  }
0x7d: {  	_ =	shalt  }
0x7e: {  	_ =	shalt  }
0x7f: {  	_ =	shalt  }
0x80: {  	_ =	shalt  }
0x81: {  	_ =	shalt  }
0x82: {  	_ =	shalt  }
0x83: {  	_ =	shalt  }
0x84: {  	_ =	shalt  }
0x85: {  	_ =	shalt  }
0x86: {  	_ =	shalt  }
0x87: {  	_ =	shalt  }
.Lfunc_end0:
.L_simem_size_0:
called_computation.2_lowered:
.L_overlay_start_0:
0x88: {  	s2 =	sld [smem:$0x3FD9]  }
0x89: {  	s3 =	sld [smem:$0x3FFE];
	_ =	sdelay $0x1  }
0x8a: {  	s1 =	srdreg.scid  }
0x8b: {  	s0 =	sand.u32 $0x1, s1  }
0x8c: {  	s17 =	sshll.u32 s0, $0xA;
	s2 =	sadd.s32 s3, s2  }
0x8d: {  	s2 =	sadd.s32 s2, s17  }
0x8e: {  	[smem:$0x3FB5] =	sst s2  }
0x8f: {  	_ = 	snop  }
0x90: {  	s2 =	sld [smem:$0x3FD0];
	(tm) =	ssettm $0x1  }
0x91: {  	s18 =	sld [smem:$0x3FFB];
	_ =	sdelay $0x3  }
0x92: {  	_ =	strace s18  }
0x93: {  	s3 =	sld [smem:$0x3FFC];
	_ =	sdelay $0x3  }
0x94: {  	_ =	strace s3  }
0x95: {  	s3 =	sld [smem:$0x3FFD];
	_ =	sdelay $0x3  }
0x96: {  	_ =	strace s3  }
0x97: {  	_ =	strace $0x8FFFFFFF  }
0x98: {  	s19 =	sld [smem:$0x3FDB];
	_ =	sdelay $0x1  }
0x99: {  	s4 =	simm.s32 $_scs_section_size  }
0x9a: {  	s5 =	simm.s32 $_size__tile_overlayer_lowered;
	s6 =	simm.s32 $_tile_overlayer_lowered  }
0x9b: {  	s22 =	simm.s32 $0x1BFF;
	s21 =	sshll.u32 s6, $0x1;
	s3 =	sadd.s32 s4, s19  }
0x9c: {  	s7 =	simm.s32 $0x0;
	s20 =	sshll.u32 s5, $0x1;
	s5 =	sadd.s32 s21, s3  }
0x9d: {  	[timem:s7], [sflag:s22] =	dma.local [hbm:s5], s20  }
0x9e: {  	_ =	swait.ge [sflag:s22], s20  }
0x9f: {  	s4 =	ssub.s32 $0x0, s20;
	[sflag:s22] =	ssyncset.done $0x0  }
0xa0: {  	[sflag:s22] =	ssyncadd.s32 s4;
	_ =	sdelay $0x1  }
0xa1: {  	s23 =	simm.s32 $0x1B8B  }
0xa2: {  	_ =	swait.ge [sflag:s23], $0x1  }
0xa3: {  	[sflag:s23] =	ssyncset.done $0x0  }
0xa4: {  	s25 =	simm.s32 $0x1B8E;
	s24 =	sld [smem:$0x3FFE];
	[sflag:s23] =	ssyncadd.s32 $0xFFFFFFFF  }
0xa5: {  	s26 =	simm.s32 $execute0_lowered;
	[smem:$0x3FD2] =	sst s25  }
0xa6: {  	s5 =	sshll.u32 s26, $0x1;
	_ =	strace $0x8000004C;
	[dreg:$0x1] =	wrdreg $0xFFFFFFFF  }
0xa7: {  	s28 =	simm.s32 $_size_execute0_lowered;
	s3 =	sadd.s32 s3, s5;
	[dreg:$0x0] =	wrdreg $0x0  }
0xa8: {  	s5 =	sshll.u32 s28, $0x1;
	[dreg:$0x2] =	wrdreg s3  }
0xa9: {  	[dreg:$0x3] =	wrdreg s5  }
0xaa: {  	[dreg:$0x4] =	wrdreg $0xC0  }
0xab: {  	_ =	task [dreg:s7], $0x5FFFF  }
0xac: {  	[dreg:$0x1] =	wrdreg $0xFFFFFFFF  }
0xad: {  	[dreg:$0x0] =	wrdreg $0x60  }
0xae: {  	[dreg:$0x2] =	wrdreg s2  }
0xaf: {  	[dreg:$0x3] =	wrdreg s24  }
0xb0: {  	[dreg:$0x4] =	wrdreg $0x9  }
0xb1: {  	_ =	task.clear_ibuf [dreg:s7], $0x5FFFF;
	_ =	strace $0x9000004C  }
0xb2: {  	s29 =	simm.s32 $0x9;
	_ =	strace $0x8000004E  }
0xb3: {  	_ =	swait.ge [sflag:s29], $0x1  }
0xb4: {  	[sflag:s29] =	ssyncadd.s32 $0xFFFFFFFF  }
0xb5: {  	_ =	strace $0x9000004E  }
0xb6: {  	_ =	sfence  }
0xb7: {  	s30 =	sld [smem:$0x0];
	_ =	sdelay $0x2  }
0xb8: {  	s31 =	sshll.u32 s1, $0xD;
	s1 =	sshrl.u32 s1, $0x2  }
0xb9: {  	s3 =	sand.u32 $0x4000, s31;
	s1 =	sadd.s32 s1, s30  }
0xba: {  	s0 =	sor.u32 s3, s0;
	s1 =	sshll.u32 s1, $0x11  }
0xbb: {  	s0 =	sor.u32 s1, s0  }
0xbc: {  	s0 =	sadd.s32 $0x8F2B, s0  }
0xbd: {  	[sflag:s0] =	ssyncadd.remote.s32 $0x1  }
0xbe: {  	_ =	sfence.sel $0xFFFF  }
0xbf: {  	[dreg:$0x0] =	wrdreg $0xFFFFFFFF;
	(pc) =	sbr.abs _section_cstart, $3  }
0xc0: {  	[dreg:$0x1] =	wrdreg $0xFFFFFFFF  }
0xc1: {  	_ =	task.clear_ibuf [dreg:s7], $0x2FFFF;
	_ =	strace $0x9FFFFFFF  }
0xc2: {  	(tm) =	ssettm $0x7FFFFFFF  }
0xc3: {  	_ =	shalt  }
tec
execute0_lowered:
.L_overlay_start_1:
0x0: {  	(tag) =	ssettag $0x1  }
0x1: {  	s1 =	srdreg.scid;
	s2 =	rddreg [dreg:$0x0]  }
0x2: {  	s0 =	stileid.u32;
	s5 =	rddreg [dreg:$0x1];
	s3 =	simm.s32 $0x0  }
0x3: {  	s8 =	simm.s32 $0x80;
	s4 =	sand.u32 $0x1, s1;
	s30 =	sshll.u32 s0, $0x1  }
0x4: {  	s9 =	simm.s32 $0x1;
	s10 =	simm.s32 $0x1400;
	s6 =	sor.u32 s4, s30  }
0x5: {  	s11 =	simm.s32 $0x0;
	s1 =	rddreg [dreg:$0x2];
	s7 =	smul.u32 $0x280, s6  }
0x6: {  	[smem:$0x7FF] =	sst s3;
	s4 =	ssub.s32 $0x2, s4;
	s6 =	smul.u32 $0x2800, s6  }
0x7: {  	_ =	strace $0x8000004D;
	s31 =	sshrl.u32 s4, $0x1;
	s7 =	sadd.s32 s7, s5  }
0x8: {  	s5 =	sadd.s32 s6, s5;
	s6 =	ssub.s32 s4, s31;
	s4 =	sadd.s32 $0x2DA00, s7  }
0x9: {  	s5 =	sadd.s32 $0x38000, s5;
	s6 =	smax.u32 s6, $0x1;
	s7 =	simm.s32 $0x2  }
.LBB2_1:
0xa: {  	[tilespmem:s3], [sflag:$0x2] =	stream.linear.gather [hbm4b:s4+s3], $0x1400, $0x38;
	[tilespmem:$0x15400] =	vst v63  }
0xb: {  	_ =	swait.ge [sflag:s7], $0x1400  }
0xc: {  	[sflag:s7] =	ssyncset.done $0x0  }
0xd: {  	s12 =	simm.s32 $0x1400;
	s13 =	simm.s32 $0x0;
	[sflag:s7] =	ssyncadd.s32 $0xFFFFEC00  }
.LBB2_2:
0xe: {  	p0 =	sne.s32 s13, $0x4E00  }
.Ltmp0:
0xf: {  	_ = 	snop;
	(pc) =	sbr.rel @p0 .LBB2_2-.Ltmp0, $4  }
0x10: {  	_ = 	snop  }
0x11: {  	s14 =	sshra.s32 s13, $0x2  }
0x12: {  	[tilespmem:s12], [sflag:$0x1] =	stream.indirect.gather [hbm4b:s2+s8], $0x10, s14, s8, $0xb8;
	[tilespmem:$0x15400] =	vst v63  }
0x13: {  	s13 =	sadd.s32 $0x200, s13;
	s12 =	sadd.s32 $0x800, s12  }
0x14: {  	_ =	swait.ge [sflag:s9], $0x800  }
0x15: {  	s12 =	simm.s32 $0x27;
	[sflag:s9] =	ssyncset.done $0x0  }
.LBB2_4:
0x16: {  	p0 =	sne.s32 s12, $0x1;
	s12 =	sadd.s32 $0xFFFFFFFF, s12;
	[sflag:s9] =	ssyncadd.s32 $0xFFFFF800  }
.Ltmp1:
0x17: {  	(pc) =	sbr.rel @p0 .LBB2_4-.Ltmp1, $3  }
0x18: {  	_ =	sdelay $0x1  }
0x19: {  	_ =	swait.ge [sflag:s9], $0x800  }
0x1a: {  	[sflag:s9] =	ssyncset.done $0x0  }
0x1b: {  	s11 =	sadd.s32 $0x1, s11  }
0x1c: {  	p0 =	sne.s32 s11, s6  }
.Ltmp2:
0x1d: {  	[sflag:s9] =	ssyncadd.s32 $0xFFFFF800;
	(pc) =	sbr.rel @p0 .LBB2_1-.Ltmp2, $4  }
0x1e: {  	[hbm4b:s5+s3] =	stream.linear.scatter [tilespmem:s10], [sflag:$0x2], $0x14000, $0x38;
	[tilespmem:$0x15400] =	vst v63  }
0x1f: {  	_ =	swait.ge [sflag:s7], $0x14000  }
0x20: {  	[sflag:s7] =	ssyncset.done $0x0  }
0x21: {  	[sflag:s7] =	ssyncadd.s32 $0xFFFEC000  }
0x22: {  	_ =	sfence.sel $0x180000  }
0x23: {  	[bflag:$0x0] =	sbarrier.arrive $0xFFFF  }
0x24: {  	p0 =	sne.s32 s0, $0x0;
	_ =	strace $0x9000004D  }
0x25: {  	s0 =	sadd.s32 @!p0 $0x100000, s1;
	[bflag:$0x2] =	sbarrier.arrive $0xFFFF  }
0x26: {  	[sflag:s0] =	ssyncadd.tile.s32 @!p0 $0x1;
	_ =	shalt  }
.Lfunc_end2:
_tile_overlayer_lowered:
.L_overlay_start_2:
0x27: {  	(tag) =	ssettag $0x2  }
0x28: {  	s0 =	rddreg [dreg:$0x0];
	s2 =	stileid.u32  }
0x29: {  	s1 =	rddreg [dreg:$0x1];
	p0 =	sne.s32 s2, $0x0  }
0x2a: {  	s3 =	rddreg [dreg:$0x2];
	[bflag:$0x3] =	sbarrier.arrive $0xFFFF;
	s2 =	simm.s32 @!p0 $0x1C02  }
0x2b: {  	[timem:s3], [sflag:s2] =	dma.local @!p0 [hbm:s0], s1  }
0x2c: {  	s0 =	simm.s32 @!p0 $0x2  }
0x2d: {  	_ =	swait.ge @!p0 [sflag:s0], s1  }
0x2e: {  	s1 =	ssub.s32 @!p0 $0x0, s1;
	[sflag:s0] =	ssyncset.done @!p0 $0x0  }
0x2f: {  	[sflag:s0] =	ssyncadd.s32 @!p0 s1  }
0x30: {  	[bflag:$0x3] =	sbarrier.arrive $0xFFFF  }
0x31: {  	_ =	shalt  }

// kernel: kernel.20.cloned.1.call-start
scs
__scs_entry_jumppad:
0x0: {  	(pc) =	sbr.rel $0x88, $3  }
0x1: {  	(tag) =	ssettag $0x0;
	lr =	simm.s32 $0x1  }
0x2: {  	[smem:$0x3F8E] =	sst lr;
	_ =	strace $0xD0000000  }
0x3: {  	_ = 	snop  }
0x4: {  	_ = 	snop  }
0x5: {  	_ = 	snop  }
0x6: {  	_ = 	snop  }
0x7: {  	_ = 	snop  }
__scs_overlays_trampoline_lowered:
0x8: {  	[smem:$0x3F9D] =	sst s0  }
0x9: {  	[smem:$0x3F9E] =	sst s1  }
0xa: {  	[smem:$0x3F9F] =	sst s2  }
0xb: {  	[smem:$0x3FA0] =	sst s3  }
0xc: {  	[smem:$0x3FA1] =	sst s4  }
0xd: {  	[smem:$0x3FA2] =	sst s5  }
0xe: {  	[smem:$0x3FA3] =	sst s6  }
0xf: {  	[smem:$0x3FA4] =	sst s7  }
0x10: {  	[smem:$0x3FA5] =	sst s8  }
0x11: {  	[smem:$0x3FA6] =	sst s9;
	s0 =	simm.s32 @!p0 $0x0  }
0x12: {  	s1 =	sld [smem:$0x3F8C];
	s0 =	simm.s32 @p0 $0x1  }
0x13: {  	[smem:$0x3FA7] =	sst s0;
	s0 =	simm.s32 @!p1 $0x0  }
0x14: {  	s2 =	sld [smem:$0x3F8B];
	s0 =	simm.s32 @p1 $0x1  }
0x15: {  	[smem:$0x3FA8] =	sst s0;
	s0 =	simm.s32 @!p2 $0x0  }
0x16: {  	s3 =	sld [smem:$0x3FDB];
	s0 =	simm.s32 @p2 $0x1  }
0x17: {  	s4 =	simm.s32 $0x1BF5;
	[smem:$0x3FAA] =	sst s0  }
0x18: {  	s0 =	sld [smem:$0x3F8D];
	_ =	swait.ge [sflag:s4], $0x0  }
0x19: {  	s7 =	sld [smem:$0x3F8E]  }
0x1a: {  	s8 =	sadd.s32 $0xFFFFE003, lr  }
0x1b: {  	s9 =	sadd.s32 $0xFFFFFEF7, lr;
	s5 =	simm.s32 $0xFFFFFFFF;
	p2 =	slt.u32 s8, $0xFFFFF086  }
0x1c: {  	p1 =	slt.u32 s9, $0xF7A;
	s5 =	simm.s32 @!p2 $0x0  }
0x1d: {  	s5 =	simm.s32 @p1 $0x1;
	p0 =	seq.s32 s7, s2  }
0x1e: {  	s7 =	smul.u32 @!p0 $0xF7A, s2;
	p2 =	seq.s32 @!p0 s5, $0x0  }
0x1f: {  	s9 =	smul.u32 $0xF7A, s1;
	s8 =	simm.s32 @!p0 $0x1BF5;
	p2 =	por !p2, p0  }
0x20: {  	[sflag:s8] =	ssyncset.s32 @!p0 $0xFFFFF086;
	s6 =	sadd.s32 @!p0 s3, s7;
	s7 =	simm.s32 @!p0 $0x108  }
0x21: {  	s3 =	sadd.s32 s3, s9;
	s6 =	sadd.s32 @!p0 $0x88, s6;
	s7 =	simm.s32 @p2 $0x1082  }
0x22: {  	[simem:s7], [sflag:s8] =	dma.local @!p0 [hbm:s6], $0xF7A  }
0x23: {  	s9 =	sor.u32 $0xD0000000, s2;
	s6 =	simm.s32 $0x108;
	_ =	swait.ge @!p0 [sflag:s8], $0x0  }
0x24: {  	s3 =	sadd.s32 $0x88, s3;
	s6 =	simm.s32 @!p1 $0x1082;
	[sflag:s4] =	ssyncset.s32 $0xFFFFF086  }
0x25: {  	[simem:s6], [sflag:s4] =	dma.local [hbm:s3], $0xF7A  }
0x26: {  	[smem:$0x3F8E] =	sst s1;
	(tag) =	ssettag s2;
	_ =	strace s9  }
0x27: {  	s1 =	sld [smem:$0x3F9E]  }
0x28: {  	s2 =	sld [smem:$0x3F9F]  }
0x29: {  	s4 =	sld [smem:$0x3FA1]  }
0x2a: {  	p0 =	seq.s32 s5, $0x0;
	s5 =	sld [smem:$0x3FA2]  }
0x2b: {  	s6 =	sld [smem:$0x3FA3]  }
0x2c: {  	s7 =	sld [smem:$0x3FA4]  }
0x2d: {  	s3 =	simm.s32 $0x108;
	s8 =	sld [smem:$0x3FA5]  }
0x2e: {  	s3 =	simm.s32 @!p0 $0x1082;
	s9 =	sld [smem:$0x3FA6]  }
0x2f: {  	lr =	sadd.s32 s0, s3;
	s0 =	sld [smem:$0x3F9D]  }
0x30: {  	s3 =	sld [smem:$0x3FA0]  }
0x31: {  	[smem:$0x3FA9] =	sst s10  }
0x32: {  	s10 =	sld [smem:$0x3FA7];
	_ =	sdelay $0x3  }
0x33: {  	p0 =	seq.s32 s10, $0x1;
	s10 =	sld [smem:$0x3FA9];
	_ =	sdelay $0x3  }
0x34: {  	[smem:$0x3FA9] =	sst s10  }
0x35: {  	s10 =	sld [smem:$0x3FA8];
	_ =	sdelay $0x3  }
0x36: {  	p1 =	seq.s32 s10, $0x1;
	s10 =	sld [smem:$0x3FA9];
	_ =	sdelay $0x3  }
0x37: {  	[smem:$0x3FA9] =	sst s10  }
0x38: {  	s10 =	sld [smem:$0x3FAA]  }
0x39: {  	_ = 	snop;
	(pc) =	sbr.ind lr, $3  }
0x3a: {  	_ = 	snop  }
0x3b: {  	_ = 	snop  }
0x3c: {  	p2 =	seq.s32 s10, $0x1;
	s10 =	sld [smem:$0x3FA9]  }
0x3d: {  	_ =	shalt  }
0x3e: {  	_ =	shalt  }
0x3f: {  	_ =	shalt  }
0x40: {  	_ =	shalt  }
0x41: {  	_ =	shalt  }
0x42: {  	_ =	shalt  }
0x43: {  	_ =	shalt  }
0x44: {  	_ =	shalt  }
0x45: {  	_ =	shalt  }
0x46: {  	_ =	shalt  }
0x47: {  	_ =	shalt  }
0x48: {  	_ =	shalt  }
0x49: {  	_ =	shalt  }
0x4a: {  	_ =	shalt  }
0x4b: {  	_ =	shalt  }
0x4c: {  	_ =	shalt  }
0x4d: {  	_ =	shalt  }
0x4e: {  	_ =	shalt  }
0x4f: {  	_ =	shalt  }
0x50: {  	_ =	shalt  }
0x51: {  	_ =	shalt  }
0x52: {  	_ =	shalt  }
0x53: {  	_ =	shalt  }
0x54: {  	_ =	shalt  }
0x55: {  	_ =	shalt  }
0x56: {  	_ =	shalt  }
0x57: {  	_ =	shalt  }
0x58: {  	_ =	shalt  }
0x59: {  	_ =	shalt  }
0x5a: {  	_ =	shalt  }
0x5b: {  	_ =	shalt  }
0x5c: {  	_ =	shalt  }
0x5d: {  	_ =	shalt  }
0x5e: {  	_ =	shalt  }
0x5f: {  	_ =	shalt  }
0x60: {  	_ =	shalt  }
0x61: {  	_ =	shalt  }
0x62: {  	_ =	shalt  }
0x63: {  	_ =	shalt  }
0x64: {  	_ =	shalt  }
0x65: {  	_ =	shalt  }
0x66: {  	_ =	shalt  }
0x67: {  	_ =	shalt  }
0x68: {  	_ =	shalt  }
0x69: {  	_ =	shalt  }
0x6a: {  	_ =	shalt  }
0x6b: {  	_ =	shalt  }
0x6c: {  	_ =	shalt  }
0x6d: {  	_ =	shalt  }
0x6e: {  	_ =	shalt  }
0x6f: {  	_ =	shalt  }
0x70: {  	_ =	shalt  }
0x71: {  	_ =	shalt  }
0x72: {  	_ =	shalt  }
0x73: {  	_ =	shalt  }
0x74: {  	_ =	shalt  }
0x75: {  	_ =	shalt  }
0x76: {  	_ =	shalt  }
0x77: {  	_ =	shalt  }
0x78: {  	_ =	shalt  }
0x79: {  	_ =	shalt  }
0x7a: {  	_ =	shalt  }
0x7b: {  	_ =	shalt  }
0x7c: {  	_ =	shalt  }
0x7d: {  	_ =	shalt  }
0x7e: {  	_ =	shalt  }
0x7f: {  	_ =	shalt  }
0x80: {  	_ =	shalt  }
0x81: {  	_ =	shalt  }
0x82: {  	_ =	shalt  }
0x83: {  	_ =	shalt  }
0x84: {  	_ =	shalt  }
0x85: {  	_ =	shalt  }
0x86: {  	_ =	shalt  }
0x87: {  	_ =	shalt  }
.Lfunc_end0:
.L_simem_size_0:
called_computation.3_lowered:
.L_overlay_start_0:
0x88: {  	s2 =	sld [smem:$0x3FD9]  }
0x89: {  	s3 =	sld [smem:$0x3FFE];
	_ =	sdelay $0x1  }
0x8a: {  	s1 =	srdreg.scid  }
0x8b: {  	s0 =	sand.u32 $0x1, s1  }
0x8c: {  	s17 =	sshll.u32 s0, $0xA;
	s2 =	sadd.s32 s3, s2  }
0x8d: {  	s2 =	sadd.s32 s2, s17  }
0x8e: {  	[smem:$0x3FB5] =	sst s2  }
0x8f: {  	_ = 	snop  }
0x90: {  	s2 =	sld [smem:$0x3FD0];
	(tm) =	ssettm $0x1  }
0x91: {  	s18 =	sld [smem:$0x3FFB];
	_ =	sdelay $0x3  }
0x92: {  	_ =	strace s18  }
0x93: {  	s3 =	sld [smem:$0x3FFC];
	_ =	sdelay $0x3  }
0x94: {  	_ =	strace s3  }
0x95: {  	s3 =	sld [smem:$0x3FFD];
	_ =	sdelay $0x3  }
0x96: {  	_ =	strace s3  }
0x97: {  	_ =	strace $0x8FFFFFFF  }
0x98: {  	s19 =	sld [smem:$0x3FDB];
	_ =	sdelay $0x1  }
0x99: {  	s4 =	simm.s32 $_scs_section_size  }
0x9a: {  	s5 =	simm.s32 $_size__tile_overlayer_lowered;
	s6 =	simm.s32 $_tile_overlayer_lowered  }
0x9b: {  	s22 =	simm.s32 $0x1BFF;
	s21 =	sshll.u32 s6, $0x1;
	s3 =	sadd.s32 s4, s19  }
0x9c: {  	s7 =	simm.s32 $0x0;
	s20 =	sshll.u32 s5, $0x1;
	s5 =	sadd.s32 s21, s3  }
0x9d: {  	[timem:s7], [sflag:s22] =	dma.local [hbm:s5], s20  }
0x9e: {  	_ =	swait.ge [sflag:s22], s20  }
0x9f: {  	s4 =	ssub.s32 $0x0, s20;
	[sflag:s22] =	ssyncset.done $0x0  }
0xa0: {  	[sflag:s22] =	ssyncadd.s32 s4;
	_ =	sdelay $0x1  }
0xa1: {  	s23 =	simm.s32 $0x1B8B  }
0xa2: {  	_ =	swait.ge [sflag:s23], $0x1  }
0xa3: {  	[sflag:s23] =	ssyncset.done $0x0  }
0xa4: {  	s25 =	simm.s32 $0x1B8E;
	s24 =	sld [smem:$0x3FFE];
	[sflag:s23] =	ssyncadd.s32 $0xFFFFFFFF  }
0xa5: {  	s26 =	simm.s32 $execute0_lowered;
	[smem:$0x3FD2] =	sst s25  }
0xa6: {  	s5 =	sshll.u32 s26, $0x1;
	_ =	strace $0x8000004F;
	[dreg:$0x1] =	wrdreg $0xFFFFFFFF  }
0xa7: {  	s28 =	simm.s32 $_size_execute0_lowered;
	s3 =	sadd.s32 s3, s5;
	[dreg:$0x0] =	wrdreg $0x0  }
0xa8: {  	s5 =	sshll.u32 s28, $0x1;
	[dreg:$0x2] =	wrdreg s3  }
0xa9: {  	[dreg:$0x3] =	wrdreg s5  }
0xaa: {  	[dreg:$0x4] =	wrdreg $0xC0  }
0xab: {  	_ =	task [dreg:s7], $0x5FFFF  }
0xac: {  	[dreg:$0x1] =	wrdreg $0xFFFFFFFF  }
0xad: {  	[dreg:$0x0] =	wrdreg $0x60  }
0xae: {  	[dreg:$0x2] =	wrdreg s24  }
0xaf: {  	[dreg:$0x3] =	wrdreg s2  }
0xb0: {  	[dreg:$0x4] =	wrdreg $0x154000  }
0xb1: {  	[dreg:$0x5] =	wrdreg $0x9  }
0xb2: {  	_ =	task.clear_ibuf [dreg:s7], $0x6FFFF;
	_ =	strace $0x9000004F  }
0xb3: {  	s29 =	simm.s32 $0x9;
	_ =	strace $0x80000051  }
0xb4: {  	_ =	swait.ge [sflag:s29], $0x1  }
0xb5: {  	[sflag:s29] =	ssyncadd.s32 $0xFFFFFFFF  }
0xb6: {  	_ =	strace $0x90000051  }
0xb7: {  	_ =	sfence  }
0xb8: {  	s30 =	sld [smem:$0x0];
	_ =	sdelay $0x2  }
0xb9: {  	s31 =	sshll.u32 s1, $0xD;
	s1 =	sshrl.u32 s1, $0x2  }
0xba: {  	s3 =	sand.u32 $0x4000, s31;
	s1 =	sadd.s32 s1, s30  }
0xbb: {  	s0 =	sor.u32 s3, s0;
	s1 =	sshll.u32 s1, $0x11  }
0xbc: {  	s0 =	sor.u32 s1, s0  }
0xbd: {  	s0 =	sadd.s32 $0x8F2B, s0  }
0xbe: {  	[sflag:s0] =	ssyncadd.remote.s32 $0x1  }
0xbf: {  	_ =	sfence.sel $0xFFFF  }
0xc0: {  	[dreg:$0x0] =	wrdreg $0xFFFFFFFF;
	(pc) =	sbr.abs _section_cstart, $3  }
0xc1: {  	[dreg:$0x1] =	wrdreg $0xFFFFFFFF  }
0xc2: {  	_ =	task.clear_ibuf [dreg:s7], $0x2FFFF;
	_ =	strace $0x9FFFFFFF  }
0xc3: {  	(tm) =	ssettm $0x7FFFFFFF  }
tec
execute0_lowered:
.L_overlay_start_1:
0x0: {  	(tag) =	ssettag $0x1  }
0x1: {  	s1 =	srdreg.scid;
	s4 =	rddreg [dreg:$0x0]  }
0x2: {  	s0 =	stileid.u32;
	s8 =	rddreg [dreg:$0x1]  }
0x3: {  	s2 =	rddreg [dreg:$0x2];
	s3 =	simm.s32 $0x0;
	s10 =	smul.u32 $0x2780, s0  }
0x4: {  	s16 =	simm.s32 $0x1;
	s5 =	sand.u32 $0x1, s1;
	s13 =	smul.u32 $0x2800, s0  }
0x5: {  	s17 =	simm.s32 $0x0;
	s25 =	sshll.u32 s0, $0x1;
	s11 =	smul.u32 $0x27800, s5  }
0x6: {  	s1 =	rddreg [dreg:$0x3];
	s6 =	sor.u32 s5, s25;
	s15 =	smul.u32 $0x1400, s5  }
0x7: {  	[smem:$0x7FF] =	sst s3;
	s31 =	sshll.u32 s0, $0x6;
	s7 =	smul.u32 $0x1400, s6  }
0x8: {  	_ =	strace $0x80000050;
	s12 =	ssub.s32 $0x2, s5;
	s9 =	smul.u32 $0x280, s6  }
0x9: {  	s6 =	smul.u32 $0xFFFFFFD8, s6;
	s14 =	sshrl.u32 s12, $0x1;
	s29 =	sadd.s32 s10, s2  }
0xa: {  	s12 =	ssub.s32 s12, s14;
	s26 =	sadd.s32 s10, s11;
	s28 =	sadd.s32 s15, s13  }
0xb: {  	s11 =	simm.s32 $0x2;
	s13 =	sor.u32 $0x1C02, s31;
	s14 =	sshrl.u32 s29, $0x3  }
0xc: {  	s15 =	simm.s32 $0x80;
	s7 =	smin.u32 s7, $0x25D00;
	s9 =	sadd.s32 s9, s4  }
0xd: {  	p0 =	slt.s32 s6, $0xFFFFFB46;
	s30 =	smax.u32 s28, $0x25D00;
	s7 =	sshll.u32 s7, $0x1  }
0xe: {  	s6 =	simm.s32 @!p0 $0xFFFFFB46;
	s10 =	sshll.u32 s30, $0x4;
	s7 =	sadd.s32 s7, s4  }
0xf: {  	s4 =	sadd.s32 $0x37A00, s4;
	s5 =	sadd.s32 $0x4E2, s6;
	s6 =	sadd.s32 $0x32A00, s9  }
0x10: {  	s9 =	sshrl.u32 s26, $0x3;
	s10 =	sadd.s32 $0xFFDA4400, s10;
	s7 =	sadd.s32 $0x38000, s7  }
0x11: {  	s8 =	sadd.s32 s8, s9;
	s9 =	smax.u32 s12, $0x1;
	s12 =	simm.s32 $0x1400  }
.LBB2_1:
0x12: {  	[tilespmem:s3], [sflag:$0x2] =	stream.linear.gather [hbm4b:s6+s3], $0x1400, $0x38;
	[tilespmem:$0x17B80] =	vst v63  }
0x13: {  	_ =	swait.ge [sflag:s11], $0x1400  }
0x14: {  	[sflag:s11] =	ssyncset.done $0x0  }
0x15: {  	[sflag:s11] =	ssyncadd.s32 $0xFFFFEC00  }
0x16: {  	[tilespmem:s12], [sflag:$0x2] =	stream.linear.gather [hbm4b:s7+s3], $0x14000, $0x38;
	[tilespmem:$0x17B80] =	vst v63  }
0x17: {  	_ =	swait.ge [sflag:s11], $0x14000  }
0x18: {  	[sflag:s11] =	ssyncset.done $0x0  }
0x19: {  	p0 =	sgt.u32 s5, $0x1;
	[sflag:s11] =	ssyncadd.s32 $0xFFFEC000  }
0x1a: {  	[spmem:s14], [sflag:s13] =	dma.local [hbm:s4], $0x4F0  }
.Ltmp0:
0x1b: {  	_ =	swait.ge [sflag:s11], $0x4F0;
	(pc) =	sbr.rel @!p0 .LBB2_3-.Ltmp0, $4  }
0x1c: {  	[sflag:s11] =	ssyncset.done $0x0  }
0x1d: {  	s18 =	simm.s32 $0x1;
	[sflag:s11] =	ssyncadd.s32 $0xFFFFFB10  }
0x1e: {  	s19 =	smov.u32 s10;
	s20 =	smov.u32 s3;
	[bflag:$0x0] =	sbarrier.arrive $0xFFFF  }
0x1f: {  	[spmem:s2] =	stream.indirect.scatter.add.f32 [tilespmem:s10], [sflag:$0x1], $0x10, s3, s15, $0xb8;
	[tilespmem:$0x17B80] =	vst v63  }
.LBB2_2:
0x20: {  	s18 =	sadd.s32 $0x1, s18  }
0x21: {  	s19 =	sadd.s32 $0x800, s19;
	s20 =	sadd.s32 $0x80, s20;
	p0 =	slt.u32 s18, s5  }
.Ltmp1:
0x22: {  	(pc) =	sbr.rel @p0 .LBB2_2-.Ltmp1, $2  }
0x23: {  	[spmem:s2] =	stream.indirect.scatter.add.f32 [tilespmem:s19], [sflag:$0x1], $0x10, s20, s15, $0xb8;
	[tilespmem:$0x17B80] =	vst v63  }
0x24: {  	_ =	sdelay $0x2  }
.LBB2_3:
0x25: {  	s18 =	sadd.s32 $0x1, s3  }
0x26: {  	p0 =	slt.u32 s18, s5  }
.Ltmp2:
0x27: {  	_ = 	snop;
	(pc) =	sbr.rel @!p0 .LBB2_5-.Ltmp2, $3  }
0x28: {  	_ =	sdelay $0x1  }
0x29: {  	_ =	swait.ge [sflag:s16], $0x800  }
0x2a: {  	[sflag:s16] =	ssyncset.done $0x0  }
.LBB2_4:
0x2b: {  	s18 =	sadd.s32 $0x1, s18  }
0x2c: {  	[sflag:s16] =	ssyncadd.s32 $0xFFFFF800;
	p0 =	slt.u32 s18, s5  }
.Ltmp3:
0x2d: {  	(pc) =	sbr.rel @p0 .LBB2_4-.Ltmp3, $3  }
0x2e: {  	_ =	sdelay $0x1  }
0x2f: {  	_ =	swait.ge [sflag:s16], $0x800  }
0x30: {  	[sflag:s16] =	ssyncset.done $0x0  }
.LBB2_5:
0x31: {  	s17 =	sadd.s32 $0x1, s17  }
0x32: {  	[sflag:s16] =	ssyncadd.s32 $0xFFFFF800;
	p0 =	sne.s32 s17, s9  }
.Ltmp4:
0x33: {  	[bflag:$0x0] =	sbarrier.arrive $0xFFFF;
	(pc) =	sbr.rel @p0 .LBB2_1-.Ltmp4, $4  }
0x34: {  	[hbm:s8], [sflag:s13] =	dma.local [spmem:s14], $0x4F0  }
0x35: {  	_ =	swait.ge [sflag:s11], $0x4F0  }
0x36: {  	[sflag:s11] =	ssyncset.done $0x0  }
0x37: {  	[sflag:s11] =	ssyncadd.s32 $0xFFFFFB10  }
0x38: {  	_ =	sfence.sel $0x180000  }
0x39: {  	[bflag:$0x0] =	sbarrier.arrive $0xFFFF  }
0x3a: {  	p0 =	sne.s32 s0, $0x0;
	_ =	strace $0x90000050  }
0x3b: {  	s0 =	sadd.s32 @!p0 $0x100000, s1;
	[bflag:$0x2] =	sbarrier.arrive $0xFFFF  }
0x3c: {  	[sflag:s0] =	ssyncadd.tile.s32 @!p0 $0x1;
	_ =	shalt  }
.Lfunc_end2:
_tile_overlayer_lowered:
.L_overlay_start_2:
0x3d: {  	(tag) =	ssettag $0x2  }
0x3e: {  	s0 =	rddreg [dreg:$0x0];
	s2 =	stileid.u32  }
0x3f: {  	s1 =	rddreg [dreg:$0x1];
	p0 =	sne.s32 s2, $0x0  }
0x40: {  	s3 =	rddreg [dreg:$0x2];
	[bflag:$0x3] =	sbarrier.arrive $0xFFFF;
	s2 =	simm.s32 @!p0 $0x1C02  }
0x41: {  	[timem:s3], [sflag:s2] =	dma.local @!p0 [hbm:s0], s1  }
0x42: {  	s0 =	simm.s32 @!p0 $0x2  }
0x43: {  	_ =	swait.ge @!p0 [sflag:s0], s1  }
0x44: {  	s1 =	ssub.s32 @!p0 $0x0, s1;
	[sflag:s0] =	ssyncset.done @!p0 $0x0  }
0x45: {  	[sflag:s0] =	ssyncadd.s32 @!p0 s1  }
0x46: {  	[bflag:$0x3] =	sbarrier.arrive $0xFFFF  }
0x47: {  	_ =	shalt  }

</sc_bundles>
